<compile_context>
chip_gen: v7x
topology: tpu7x:2x2x1
jax: 0.10.2.dev20260603
libtpu: 0.0.44.dev20260713+nightly
codegen_flags: <defaults>
</compile_context>

<pallas_src>
import numpy as np

import jax
import jax.numpy as jnp
from jax import lax
from jax.experimental import pallas as pl
from jax.experimental.pallas import tpu as pltpu
from jax.experimental.pallas import tpu_sc as plsc
from jax._src.random.threefry2x32 import threefry2x32_p

_VOCAB = 151936
_H = 1024
_B, _S = 4, 2048
_NTOK = _B * _S

_NC, _NS = 2, 16
_NW = _NC * _NS
_TOK_PER_W = _NTOK // _NW
_CHUNK = 32
_NCHUNK = _TOK_PER_W // _CHUNK


def _sc_gather_body(ids_hbm, table_hbm, out_hbm, idx_v, rows0, rows1,
                    gsem0, gsem1, ssem0, ssem1, *, tok_per_w=_TOK_PER_W,
                    nchunk=_NCHUNK):
    wid = lax.axis_index("s") * _NC + lax.axis_index("c")
    base = wid * tok_per_w
    pltpu.sync_copy(ids_hbm.at[pl.ds(base, tok_per_w)], idx_v)
    rows = (rows0, rows1)
    gsem = (gsem0, gsem1)
    ssem = (ssem0, ssem1)
    gcp = [None, None]
    scp = [None, None]

    def start(c):
        p = c & 1
        gcp[p] = pltpu.async_copy(
            table_hbm.at[idx_v.at[pl.ds(c * _CHUNK, _CHUNK)]], rows[p], gsem[p])

    start(0)
    for c in range(1, nchunk):
        p = c & 1
        if scp[p] is not None:
            scp[p].wait()
        start(c)
        q = 1 - p
        gcp[q].wait()
        scp[q] = pltpu.async_copy(
            rows[q], out_hbm.at[pl.ds(base + (c - 1) * _CHUNK, _CHUNK)], ssem[q])
    p = (nchunk - 1) & 1
    gcp[p].wait()
    pltpu.sync_copy(rows[p], out_hbm.at[pl.ds(base + (nchunk - 1) * _CHUNK, _CHUNK)])
    if scp[1 - p] is not None:
        scp[1 - p].wait()


_SC_GATHER_CACHE = {}


def _sc_gather(ids, table):
    n = ids.shape[0]
    if n not in _SC_GATHER_CACHE:
        tok_per_w = n // _NW
        nchunk = tok_per_w // _CHUNK
        _SC_GATHER_CACHE[n] = pl.kernel(
            lambda *a: _sc_gather_body(*a, tok_per_w=tok_per_w, nchunk=nchunk),
            out_type=jax.ShapeDtypeStruct((n, _H), jnp.float32),
            mesh=plsc.VectorSubcoreMesh(core_axis_name="c", subcore_axis_name="s"),
            scratch_types=[
                pltpu.VMEM((tok_per_w,), jnp.int32),
                pltpu.VMEM((_CHUNK, _H), jnp.float32),
                pltpu.VMEM((_CHUNK, _H), jnp.float32),
                pltpu.SemaphoreType.DMA,
                pltpu.SemaphoreType.DMA,
                pltpu.SemaphoreType.DMA,
                pltpu.SemaphoreType.DMA,
            ],
        )
    return _SC_GATHER_CACHE[n](ids, table)


_K1 = np.uint32(0)
_K2 = np.uint32(42)
_LO = np.float32(np.nextafter(np.float32(-1.0), np.float32(0.0)))
_SPAN = np.float32(np.float32(1.0) - _LO)
_SQRT2 = np.float32(np.sqrt(2.0))
_EXP1F = np.uint32(0x3F800000)


_Q = tuple(np.float32(v) for v in (
    1.2531494, 0.0021799551, 0.32501802, -0.012888024,
    0.050362255, -0.026957497, 0.0036111893))


def _noise_block(flat_base, shape):
    r = lax.broadcasted_iota(jnp.uint32, shape, 0)
    c = lax.broadcasted_iota(jnp.uint32, shape, 1)
    cnt = flat_base.astype(jnp.uint32) + r * np.uint32(shape[1]) + c
    zero = jnp.zeros(shape, jnp.uint32)
    b1, b2 = threefry2x32_p.bind(_K1, _K2, zero, cnt)
    bits = b1 ^ b2
    fb = (bits >> jnp.uint32(9)) | _EXP1F
    f = lax.bitcast_convert_type(fb, jnp.float32) - np.float32(1.0)
    u = jnp.maximum(_LO, f * _SPAN + _LO)
    w = -jnp.log(np.float32(1.0) - u * u)
    s = jnp.sqrt(w)
    q = jnp.full(shape, _Q[6], jnp.float32)
    for k in (5, 4, 3, 2, 1, 0):
        q = q * s + _Q[k]
    return (u * q) * np.float32(0.1)


_MM_BLK = 512
_HALF_BLKS = (_NTOK // _MM_BLK) // 2


def _mm_compute(x_ref, w_ref, b_ref, o_ref, base_blk):
    i = pl.program_id(0)
    noise = _noise_block((i + base_blk) * (_MM_BLK * _H), (_MM_BLK, _H))
    acc = lax.dot_general(
        x_ref[...].astype(jnp.bfloat16), w_ref[...].astype(jnp.bfloat16),
        dimension_numbers=(((1,), (1,)), ((), ())),
        preferred_element_type=jnp.float32,
    )
    o_ref[...] = acc + b_ref[...] + noise


def _mm_body_lo(x_ref, w_ref, b_ref, o_ref):
    _mm_compute(x_ref, w_ref, b_ref, o_ref, 0)


def _mm_body_hi(buf_ref, x_ref, w_ref, b_ref, o_ref):
    del buf_ref
    _mm_compute(x_ref, w_ref, b_ref, o_ref, _HALF_BLKS)


def _linear_noise_lo(x, W, b):
    return pl.pallas_call(
        _mm_body_lo,
        grid=(_HALF_BLKS,),
        in_specs=[
            pl.BlockSpec((_MM_BLK, _H), lambda i: (i, 0)),
            pl.BlockSpec((_H, _H), lambda i: (0, 0)),
            pl.BlockSpec((1, _H), lambda i: (0, 0)),
        ],
        out_specs=pl.BlockSpec((_MM_BLK, _H), lambda i: (i, 0)),
        out_shape=jax.ShapeDtypeStruct((_NTOK, _H), jnp.float32),
    )(x, W, b.reshape(1, _H))


def _linear_noise_hi(buf, x, W, b):
    return pl.pallas_call(
        _mm_body_hi,
        grid=(_HALF_BLKS,),
        in_specs=[
            pl.BlockSpec(memory_space=pltpu.HBM),
            pl.BlockSpec((_MM_BLK, _H), lambda i: (i, 0)),
            pl.BlockSpec((_H, _H), lambda i: (0, 0)),
            pl.BlockSpec((1, _H), lambda i: (0, 0)),
        ],
        out_specs=pl.BlockSpec((_MM_BLK, _H), lambda i: (i + _HALF_BLKS, 0)),
        out_shape=jax.ShapeDtypeStruct((_NTOK, _H), jnp.float32),
        input_output_aliases={0: 0},
    )(buf, x, W, b.reshape(1, _H))


def kernel(input_ids, emb_table, W, b):
    ids = input_ids.reshape(_NTOK).astype(jnp.int32)
    half = _NTOK // 2
    emb0 = _sc_gather(ids[:half], emb_table)
    emb1 = _sc_gather(ids[half:], emb_table)
    buf = _linear_noise_lo(emb0, W, b)
    out = _linear_noise_hi(buf, emb1, W, b)
    return out.reshape(_B, _S, _H)

# --- scband reference (transcript-rebuilt; emitter-appended) ---
"""Pipeline reference for scband-mock-feature-network-42880953484115 (READ-ONLY COPY).

The authoritative reference and input builder live on the scoring server;
editing this copy changes nothing except your own understanding.
"""

import jax, jax.numpy as jnp
import numpy as np

VOCAB = 151936
HIDDEN = 1024
B, S = 4, 2048


def setup_inputs(seed: int = 0) -> dict:
    key = jax.random.key(seed)
    k1, k2, k3, k4 = jax.random.split(key, 4)
    input_ids = jax.random.randint(k1, (B, S), 0, VOCAB, dtype=jnp.int64 if jax.config.jax_enable_x64 else jnp.int32)
    # nn.Embedding default init: N(0, 1)
    emb_table = jax.random.normal(k2, (VOCAB, HIDDEN), dtype=jnp.float32)
    # nn.Linear default init: kaiming-uniform-ish; use uniform(-1/sqrt(H), 1/sqrt(H))
    bound = 1.0 / np.sqrt(HIDDEN)
    W = jax.random.uniform(k3, (HIDDEN, HIDDEN), minval=-bound, maxval=bound, dtype=jnp.float32)
    b = jax.random.uniform(k4, (HIDDEN,), minval=-bound, maxval=bound, dtype=jnp.float32)
    return {"input_ids": input_ids, "emb_table": emb_table, "W": W, "b": b}


def reference(input_ids, emb_table, W, b):
    # embedding lookup: gather rows of the table (SparseCore-friendly gather)
    embeddings = jnp.take(emb_table, input_ids, axis=0)  # [B, S, H]
    # linear layer: y = x @ W^T + b
    features = jnp.einsum('bsh,oh->bso', embeddings, W) + b
    # additive noise ~ N(0, 0.1^2); fixed key for determinism
    noise = jax.random.normal(jax.random.key(42), features.shape, dtype=features.dtype) * 0.1
    return features + noise

if __name__ == "__main__":
    import jax
    _d = setup_inputs()
    print(jax.jit(kernel)(*tuple(_d.values())))

</pallas_src>

<mosaic_0001>
#map = affine_map<(d0, d1) -> (0)>
#map1 = affine_map<(d0, d1) -> (0, 0)>
module attributes {stable_mosaic.version = 14 : i64} {
  func.func @_lambda_(%arg0: i32, %arg1: i32, %arg2: memref<4096xi32, #tpu.memory_space<hbm>>, %arg3: memref<151936x1024xf32, #tpu.memory_space<hbm>>, %arg4: memref<4096x1024xf32, #tpu.memory_space<hbm>>, %arg5: memref<128xi32, #tpu.memory_space<vmem>>, %arg6: memref<32x1024xf32, #tpu.memory_space<vmem>>, %arg7: memref<32x1024xf32, #tpu.memory_space<vmem>>, %arg8: memref<!tpu.dma_semaphore, #tpu.memory_space<semaphore_mem>>, %arg9: memref<!tpu.dma_semaphore, #tpu.memory_space<semaphore_mem>>, %arg10: memref<!tpu.dma_semaphore, #tpu.memory_space<semaphore_mem>>, %arg11: memref<!tpu.dma_semaphore, #tpu.memory_space<semaphore_mem>>) attributes {dimension_semantics = [#tpu.dimension_semantics<core_parallel>, #tpu.dimension_semantics<subcore_parallel>], iteration_bounds = array<i64: 2, 16>, scalar_prefetch = 0 : i64, scratch_operands = 7 : i64, tpu.core_type = #tpu.core_type<sc_vector_subcore>, window_params = [{transform_indices = #map}, {transform_indices = #map1}, {transform_indices = #map1}]} {
    %mul3A = arith.constant 2 : i32
    %mul3A_0 = arith.muli %arg1, %mul3A : i32
    %add3A = arith.addi %mul3A_0, %arg0 : i32
    %mul3A_1 = arith.constant 128 : i32
    %mul3A_2 = arith.muli %add3A, %mul3A_1 : i32
    "tpu.region"() ({
      %run_scoped3A = tpu.sem_alloc : memref<!tpu.dma_semaphore, #tpu.memory_space<semaphore_mem>>
      %dma_start3A_73 = tpu.memref_slice %arg2[%mul3A_2] : memref<4096xi32, #tpu.memory_space<hbm>> -> memref<128xi32, #tpu.memory_space<hbm>>
      %dma_start3A_74 = tpu.memref_slice %arg2[%mul3A_2] : memref<4096xi32, #tpu.memory_space<hbm>> -> memref<128xi32, #tpu.memory_space<hbm>>
      tpu.enqueue_dma source(%dma_start3A_74 : memref<128xi32, #tpu.memory_space<hbm>>) target(%arg5 : memref<128xi32, #tpu.memory_space<vmem>>) target_semaphore(%run_scoped3A : memref<!tpu.dma_semaphore, #tpu.memory_space<semaphore_mem>>)
      %dma_wait3A_75 = tpu.memref_slice %arg2[%mul3A_2] : memref<4096xi32, #tpu.memory_space<hbm>> -> memref<128xi32, #tpu.memory_space<hbm>>
      %dma_wait3A_76 = tpu.memref_slice %arg2[%mul3A_2] : memref<4096xi32, #tpu.memory_space<hbm>> -> memref<128xi32, #tpu.memory_space<hbm>>
      tpu.wait_dma2 semaphore(%run_scoped3A : memref<!tpu.dma_semaphore, #tpu.memory_space<semaphore_mem>>) src(%dma_wait3A_76 : memref<128xi32, #tpu.memory_space<hbm>>) dst(%arg5 : memref<128xi32, #tpu.memory_space<vmem>>)
      tpu.yield
    }) : () -> ()
    %dma_start3A = arith.constant 0 : i32
    %dma_start3A_3 = tpu.memref_slice %arg5[%dma_start3A] : memref<128xi32, #tpu.memory_space<vmem>> -> memref<32xi32, #tpu.memory_space<vmem>>
    %dma_start3A_4 = arith.constant 0 : i32
    %dma_start3A_5 = arith.constant 0 : i32
    %dma_start3A_6 = tpu.memref_slice %arg3[%dma_start3A_4, %dma_start3A_5] : memref<151936x1024xf32, #tpu.memory_space<hbm>> -> memref<151936x1024xf32, #tpu.memory_space<hbm>>
    tpu.enqueue_indirect_dma source(%dma_start3A_6 : memref<151936x1024xf32, #tpu.memory_space<hbm>>) target(%arg6 : memref<32x1024xf32, #tpu.memory_space<vmem>>) offsets(%dma_start3A_3 : memref<32xi32, #tpu.memory_space<vmem>>) semaphore(%arg8 : memref<!tpu.dma_semaphore, #tpu.memory_space<semaphore_mem>>)
    %dma_start3A_7 = arith.constant 32 : i32
    %dma_start3A_8 = tpu.memref_slice %arg5[%dma_start3A_7] : memref<128xi32, #tpu.memory_space<vmem>> -> memref<32xi32, #tpu.memory_space<vmem>>
    %dma_start3A_9 = arith.constant 0 : i32
    %dma_start3A_10 = arith.constant 0 : i32
    %dma_start3A_11 = tpu.memref_slice %arg3[%dma_start3A_9, %dma_start3A_10] : memref<151936x1024xf32, #tpu.memory_space<hbm>> -> memref<151936x1024xf32, #tpu.memory_space<hbm>>
    tpu.enqueue_indirect_dma source(%dma_start3A_11 : memref<151936x1024xf32, #tpu.memory_space<hbm>>) target(%arg7 : memref<32x1024xf32, #tpu.memory_space<vmem>>) offsets(%dma_start3A_8 : memref<32xi32, #tpu.memory_space<vmem>>) semaphore(%arg9 : memref<!tpu.dma_semaphore, #tpu.memory_space<semaphore_mem>>)
    %dma_wait3A = arith.constant 0 : i32
    %dma_wait3A_12 = tpu.memref_slice %arg5[%dma_wait3A] : memref<128xi32, #tpu.memory_space<vmem>> -> memref<32xi32, #tpu.memory_space<vmem>>
    %dma_wait3A_13 = arith.constant 0 : i32
    %dma_wait3A_14 = arith.constant 0 : i32
    %dma_wait3A_15 = tpu.memref_slice %arg3[%dma_wait3A_13, %dma_wait3A_14] : memref<151936x1024xf32, #tpu.memory_space<hbm>> -> memref<151936x1024xf32, #tpu.memory_space<hbm>>
    tpu.wait_indirect_dma semaphore(%arg8 : memref<!tpu.dma_semaphore, #tpu.memory_space<semaphore_mem>>) src(%dma_wait3A_15 : memref<151936x1024xf32, #tpu.memory_space<hbm>>) dst(%arg6 : memref<32x1024xf32, #tpu.memory_space<vmem>>)
    %add3A_16 = arith.constant 0 : i32
    %add3A_17 = arith.addi %mul3A_2, %add3A_16 : i32
    %dma_start3A_18 = arith.constant 0 : i32
    %dma_start3A_19 = tpu.memref_slice %arg4[%add3A_17, %dma_start3A_18] : memref<4096x1024xf32, #tpu.memory_space<hbm>> -> memref<32x1024xf32, #tpu.memory_space<hbm>>
    %dma_start3A_20 = arith.constant 0 : i32
    %dma_start3A_21 = tpu.memref_slice %arg4[%add3A_17, %dma_start3A_20] : memref<4096x1024xf32, #tpu.memory_space<hbm>> -> memref<32x1024xf32, #tpu.memory_space<hbm>>
    tpu.enqueue_dma source(%arg6 : memref<32x1024xf32, #tpu.memory_space<vmem>>) target(%dma_start3A_21 : memref<32x1024xf32, #tpu.memory_space<hbm>>) target_semaphore(%arg10 : memref<!tpu.dma_semaphore, #tpu.memory_space<semaphore_mem>>)
    %dma_wait3A_22 = arith.constant 0 : i32
    %dma_wait3A_23 = tpu.memref_slice %arg4[%add3A_17, %dma_wait3A_22] : memref<4096x1024xf32, #tpu.memory_space<hbm>> -> memref<32x1024xf32, #tpu.memory_space<hbm>>
    %dma_wait3A_24 = arith.constant 0 : i32
    %dma_wait3A_25 = tpu.memref_slice %arg4[%add3A_17, %dma_wait3A_24] : memref<4096x1024xf32, #tpu.memory_space<hbm>> -> memref<32x1024xf32, #tpu.memory_space<hbm>>
    tpu.wait_dma2 semaphore(%arg10 : memref<!tpu.dma_semaphore, #tpu.memory_space<semaphore_mem>>) src(%arg6 : memref<32x1024xf32, #tpu.memory_space<vmem>>) dst(%dma_wait3A_25 : memref<32x1024xf32, #tpu.memory_space<hbm>>)
    %dma_start3A_26 = arith.constant 64 : i32
    %dma_start3A_27 = tpu.memref_slice %arg5[%dma_start3A_26] : memref<128xi32, #tpu.memory_space<vmem>> -> memref<32xi32, #tpu.memory_space<vmem>>
    %dma_start3A_28 = arith.constant 0 : i32
    %dma_start3A_29 = arith.constant 0 : i32
    %dma_start3A_30 = tpu.memref_slice %arg3[%dma_start3A_28, %dma_start3A_29] : memref<151936x1024xf32, #tpu.memory_space<hbm>> -> memref<151936x1024xf32, #tpu.memory_space<hbm>>
    tpu.enqueue_indirect_dma source(%dma_start3A_30 : memref<151936x1024xf32, #tpu.memory_space<hbm>>) target(%arg6 : memref<32x1024xf32, #tpu.memory_space<vmem>>) offsets(%dma_start3A_27 : memref<32xi32, #tpu.memory_space<vmem>>) semaphore(%arg8 : memref<!tpu.dma_semaphore, #tpu.memory_space<semaphore_mem>>)
    %dma_wait3A_31 = arith.constant 32 : i32
    %dma_wait3A_32 = tpu.memref_slice %arg5[%dma_wait3A_31] : memref<128xi32, #tpu.memory_space<vmem>> -> memref<32xi32, #tpu.memory_space<vmem>>
    %dma_wait3A_33 = arith.constant 0 : i32
    %dma_wait3A_34 = arith.constant 0 : i32
    %dma_wait3A_35 = tpu.memref_slice %arg3[%dma_wait3A_33, %dma_wait3A_34] : memref<151936x1024xf32, #tpu.memory_space<hbm>> -> memref<151936x1024xf32, #tpu.memory_space<hbm>>
    tpu.wait_indirect_dma semaphore(%arg9 : memref<!tpu.dma_semaphore, #tpu.memory_space<semaphore_mem>>) src(%dma_wait3A_35 : memref<151936x1024xf32, #tpu.memory_space<hbm>>) dst(%arg7 : memref<32x1024xf32, #tpu.memory_space<vmem>>)
    %add3A_36 = arith.constant 32 : i32
    %add3A_37 = arith.addi %mul3A_2, %add3A_36 : i32
    %dma_start3A_38 = arith.constant 0 : i32
    %dma_start3A_39 = tpu.memref_slice %arg4[%add3A_37, %dma_start3A_38] : memref<4096x1024xf32, #tpu.memory_space<hbm>> -> memref<32x1024xf32, #tpu.memory_space<hbm>>
    %dma_start3A_40 = arith.constant 0 : i32
    %dma_start3A_41 = tpu.memref_slice %arg4[%add3A_37, %dma_start3A_40] : memref<4096x1024xf32, #tpu.memory_space<hbm>> -> memref<32x1024xf32, #tpu.memory_space<hbm>>
    tpu.enqueue_dma source(%arg7 : memref<32x1024xf32, #tpu.memory_space<vmem>>) target(%dma_start3A_41 : memref<32x1024xf32, #tpu.memory_space<hbm>>) target_semaphore(%arg11 : memref<!tpu.dma_semaphore, #tpu.memory_space<semaphore_mem>>)
    %dma_wait3A_42 = arith.constant 0 : i32
    %dma_wait3A_43 = tpu.memref_slice %arg4[%add3A_37, %dma_wait3A_42] : memref<4096x1024xf32, #tpu.memory_space<hbm>> -> memref<32x1024xf32, #tpu.memory_space<hbm>>
    %dma_wait3A_44 = arith.constant 0 : i32
    %dma_wait3A_45 = tpu.memref_slice %arg4[%add3A_37, %dma_wait3A_44] : memref<4096x1024xf32, #tpu.memory_space<hbm>> -> memref<32x1024xf32, #tpu.memory_space<hbm>>
    tpu.wait_dma2 semaphore(%arg11 : memref<!tpu.dma_semaphore, #tpu.memory_space<semaphore_mem>>) src(%arg7 : memref<32x1024xf32, #tpu.memory_space<vmem>>) dst(%dma_wait3A_45 : memref<32x1024xf32, #tpu.memory_space<hbm>>)
    %dma_start3A_46 = arith.constant 96 : i32
    %dma_start3A_47 = tpu.memref_slice %arg5[%dma_start3A_46] : memref<128xi32, #tpu.memory_space<vmem>> -> memref<32xi32, #tpu.memory_space<vmem>>
    %dma_start3A_48 = arith.constant 0 : i32
    %dma_start3A_49 = arith.constant 0 : i32
    %dma_start3A_50 = tpu.memref_slice %arg3[%dma_start3A_48, %dma_start3A_49] : memref<151936x1024xf32, #tpu.memory_space<hbm>> -> memref<151936x1024xf32, #tpu.memory_space<hbm>>
    tpu.enqueue_indirect_dma source(%dma_start3A_50 : memref<151936x1024xf32, #tpu.memory_space<hbm>>) target(%arg7 : memref<32x1024xf32, #tpu.memory_space<vmem>>) offsets(%dma_start3A_47 : memref<32xi32, #tpu.memory_space<vmem>>) semaphore(%arg9 : memref<!tpu.dma_semaphore, #tpu.memory_space<semaphore_mem>>)
    %dma_wait3A_51 = arith.constant 64 : i32
    %dma_wait3A_52 = tpu.memref_slice %arg5[%dma_wait3A_51] : memref<128xi32, #tpu.memory_space<vmem>> -> memref<32xi32, #tpu.memory_space<vmem>>
    %dma_wait3A_53 = arith.constant 0 : i32
    %dma_wait3A_54 = arith.constant 0 : i32
    %dma_wait3A_55 = tpu.memref_slice %arg3[%dma_wait3A_53, %dma_wait3A_54] : memref<151936x1024xf32, #tpu.memory_space<hbm>> -> memref<151936x1024xf32, #tpu.memory_space<hbm>>
    tpu.wait_indirect_dma semaphore(%arg8 : memref<!tpu.dma_semaphore, #tpu.memory_space<semaphore_mem>>) src(%dma_wait3A_55 : memref<151936x1024xf32, #tpu.memory_space<hbm>>) dst(%arg6 : memref<32x1024xf32, #tpu.memory_space<vmem>>)
    %add3A_56 = arith.constant 64 : i32
    %add3A_57 = arith.addi %mul3A_2, %add3A_56 : i32
    %dma_start3A_58 = arith.constant 0 : i32
    %dma_start3A_59 = tpu.memref_slice %arg4[%add3A_57, %dma_start3A_58] : memref<4096x1024xf32, #tpu.memory_space<hbm>> -> memref<32x1024xf32, #tpu.memory_space<hbm>>
    %dma_start3A_60 = arith.constant 0 : i32
    %dma_start3A_61 = tpu.memref_slice %arg4[%add3A_57, %dma_start3A_60] : memref<4096x1024xf32, #tpu.memory_space<hbm>> -> memref<32x1024xf32, #tpu.memory_space<hbm>>
    tpu.enqueue_dma source(%arg6 : memref<32x1024xf32, #tpu.memory_space<vmem>>) target(%dma_start3A_61 : memref<32x1024xf32, #tpu.memory_space<hbm>>) target_semaphore(%arg10 : memref<!tpu.dma_semaphore, #tpu.memory_space<semaphore_mem>>)
    %dma_wait3A_62 = arith.constant 96 : i32
    %dma_wait3A_63 = tpu.memref_slice %arg5[%dma_wait3A_62] : memref<128xi32, #tpu.memory_space<vmem>> -> memref<32xi32, #tpu.memory_space<vmem>>
    %dma_wait3A_64 = arith.constant 0 : i32
    %dma_wait3A_65 = arith.constant 0 : i32
    %dma_wait3A_66 = tpu.memref_slice %arg3[%dma_wait3A_64, %dma_wait3A_65] : memref<151936x1024xf32, #tpu.memory_space<hbm>> -> memref<151936x1024xf32, #tpu.memory_space<hbm>>
    tpu.wait_indirect_dma semaphore(%arg9 : memref<!tpu.dma_semaphore, #tpu.memory_space<semaphore_mem>>) src(%dma_wait3A_66 : memref<151936x1024xf32, #tpu.memory_space<hbm>>) dst(%arg7 : memref<32x1024xf32, #tpu.memory_space<vmem>>)
    %add3A_67 = arith.constant 96 : i32
    %add3A_68 = arith.addi %mul3A_2, %add3A_67 : i32
    "tpu.region"() ({
      %run_scoped3A = tpu.sem_alloc : memref<!tpu.dma_semaphore, #tpu.memory_space<semaphore_mem>>
      %dma_start3A_73 = arith.constant 0 : i32
      %dma_start3A_74 = tpu.memref_slice %arg4[%add3A_68, %dma_start3A_73] : memref<4096x1024xf32, #tpu.memory_space<hbm>> -> memref<32x1024xf32, #tpu.memory_space<hbm>>
      %dma_start3A_75 = arith.constant 0 : i32
      %dma_start3A_76 = tpu.memref_slice %arg4[%add3A_68, %dma_start3A_75] : memref<4096x1024xf32, #tpu.memory_space<hbm>> -> memref<32x1024xf32, #tpu.memory_space<hbm>>
      tpu.enqueue_dma source(%arg7 : memref<32x1024xf32, #tpu.memory_space<vmem>>) target(%dma_start3A_76 : memref<32x1024xf32, #tpu.memory_space<hbm>>) target_semaphore(%run_scoped3A : memref<!tpu.dma_semaphore, #tpu.memory_space<semaphore_mem>>)
      %dma_wait3A_77 = arith.constant 0 : i32
      %dma_wait3A_78 = tpu.memref_slice %arg4[%add3A_68, %dma_wait3A_77] : memref<4096x1024xf32, #tpu.memory_space<hbm>> -> memref<32x1024xf32, #tpu.memory_space<hbm>>
      %dma_wait3A_79 = arith.constant 0 : i32
      %dma_wait3A_80 = tpu.memref_slice %arg4[%add3A_68, %dma_wait3A_79] : memref<4096x1024xf32, #tpu.memory_space<hbm>> -> memref<32x1024xf32, #tpu.memory_space<hbm>>
      tpu.wait_dma2 semaphore(%run_scoped3A : memref<!tpu.dma_semaphore, #tpu.memory_space<semaphore_mem>>) src(%arg7 : memref<32x1024xf32, #tpu.memory_space<vmem>>) dst(%dma_wait3A_80 : memref<32x1024xf32, #tpu.memory_space<hbm>>)
      tpu.yield
    }) : () -> ()
    %dma_wait3A_69 = arith.constant 0 : i32
    %dma_wait3A_70 = tpu.memref_slice %arg4[%add3A_57, %dma_wait3A_69] : memref<4096x1024xf32, #tpu.memory_space<hbm>> -> memref<32x1024xf32, #tpu.memory_space<hbm>>
    %dma_wait3A_71 = arith.constant 0 : i32
    %dma_wait3A_72 = tpu.memref_slice %arg4[%add3A_57, %dma_wait3A_71] : memref<4096x1024xf32, #tpu.memory_space<hbm>> -> memref<32x1024xf32, #tpu.memory_space<hbm>>
    tpu.wait_dma2 semaphore(%arg10 : memref<!tpu.dma_semaphore, #tpu.memory_space<semaphore_mem>>) src(%arg6 : memref<32x1024xf32, #tpu.memory_space<vmem>>) dst(%dma_wait3A_72 : memref<32x1024xf32, #tpu.memory_space<hbm>>)
    return
  }
}

#map = affine_map<(d0, d1) -> (0)>
#map1 = affine_map<(d0, d1) -> (0, 0)>
module attributes {stable_mosaic.version = 14 : i64} {
  func.func @_lambda_(%arg0: i32, %arg1: i32, %arg2: memref<4096xi32, #tpu.memory_space<hbm>>, %arg3: memref<151936x1024xf32, #tpu.memory_space<hbm>>, %arg4: memref<4096x1024xf32, #tpu.memory_space<hbm>>, %arg5: memref<128xi32, #tpu.memory_space<vmem>>, %arg6: memref<32x1024xf32, #tpu.memory_space<vmem>>, %arg7: memref<32x1024xf32, #tpu.memory_space<vmem>>, %arg8: memref<!tpu.dma_semaphore, #tpu.memory_space<semaphore_mem>>, %arg9: memref<!tpu.dma_semaphore, #tpu.memory_space<semaphore_mem>>, %arg10: memref<!tpu.dma_semaphore, #tpu.memory_space<semaphore_mem>>, %arg11: memref<!tpu.dma_semaphore, #tpu.memory_space<semaphore_mem>>) attributes {dimension_semantics = [#tpu.dimension_semantics<core_parallel>, #tpu.dimension_semantics<subcore_parallel>], iteration_bounds = array<i64: 2, 16>, scalar_prefetch = 0 : i64, scratch_operands = 7 : i64, tpu.core_type = #tpu.core_type<sc_vector_subcore>, window_params = [{transform_indices = #map}, {transform_indices = #map1}, {transform_indices = #map1}]} {
    %mul3A = arith.constant 2 : i32
    %mul3A_0 = arith.muli %arg1, %mul3A : i32
    %add3A = arith.addi %mul3A_0, %arg0 : i32
    %mul3A_1 = arith.constant 128 : i32
    %mul3A_2 = arith.muli %add3A, %mul3A_1 : i32
    "tpu.region"() ({
      %run_scoped3A = tpu.sem_alloc : memref<!tpu.dma_semaphore, #tpu.memory_space<semaphore_mem>>
      %dma_start3A_73 = tpu.memref_slice %arg2[%mul3A_2] : memref<4096xi32, #tpu.memory_space<hbm>> -> memref<128xi32, #tpu.memory_space<hbm>>
      %dma_start3A_74 = tpu.memref_slice %arg2[%mul3A_2] : memref<4096xi32, #tpu.memory_space<hbm>> -> memref<128xi32, #tpu.memory_space<hbm>>
      tpu.enqueue_dma source(%dma_start3A_74 : memref<128xi32, #tpu.memory_space<hbm>>) target(%arg5 : memref<128xi32, #tpu.memory_space<vmem>>) target_semaphore(%run_scoped3A : memref<!tpu.dma_semaphore, #tpu.memory_space<semaphore_mem>>)
      %dma_wait3A_75 = tpu.memref_slice %arg2[%mul3A_2] : memref<4096xi32, #tpu.memory_space<hbm>> -> memref<128xi32, #tpu.memory_space<hbm>>
      %dma_wait3A_76 = tpu.memref_slice %arg2[%mul3A_2] : memref<4096xi32, #tpu.memory_space<hbm>> -> memref<128xi32, #tpu.memory_space<hbm>>
      tpu.wait_dma2 semaphore(%run_scoped3A : memref<!tpu.dma_semaphore, #tpu.memory_space<semaphore_mem>>) src(%dma_wait3A_76 : memref<128xi32, #tpu.memory_space<hbm>>) dst(%arg5 : memref<128xi32, #tpu.memory_space<vmem>>)
      tpu.yield
    }) : () -> ()
    %dma_start3A = arith.constant 0 : i32
    %dma_start3A_3 = tpu.memref_slice %arg5[%dma_start3A] : memref<128xi32, #tpu.memory_space<vmem>> -> memref<32xi32, #tpu.memory_space<vmem>>
    %dma_start3A_4 = arith.constant 0 : i32
    %dma_start3A_5 = arith.constant 0 : i32
    %dma_start3A_6 = tpu.memref_slice %arg3[%dma_start3A_4, %dma_start3A_5] : memref<151936x1024xf32, #tpu.memory_space<hbm>> -> memref<151936x1024xf32, #tpu.memory_space<hbm>>
    tpu.enqueue_indirect_dma source(%dma_start3A_6 : memref<151936x1024xf32, #tpu.memory_space<hbm>>) target(%arg6 : memref<32x1024xf32, #tpu.memory_space<vmem>>) offsets(%dma_start3A_3 : memref<32xi32, #tpu.memory_space<vmem>>) semaphore(%arg8 : memref<!tpu.dma_semaphore, #tpu.memory_space<semaphore_mem>>)
    %dma_start3A_7 = arith.constant 32 : i32
    %dma_start3A_8 = tpu.memref_slice %arg5[%dma_start3A_7] : memref<128xi32, #tpu.memory_space<vmem>> -> memref<32xi32, #tpu.memory_space<vmem>>
    %dma_start3A_9 = arith.constant 0 : i32
    %dma_start3A_10 = arith.constant 0 : i32
    %dma_start3A_11 = tpu.memref_slice %arg3[%dma_start3A_9, %dma_start3A_10] : memref<151936x1024xf32, #tpu.memory_space<hbm>> -> memref<151936x1024xf32, #tpu.memory_space<hbm>>
    tpu.enqueue_indirect_dma source(%dma_start3A_11 : memref<151936x1024xf32, #tpu.memory_space<hbm>>) target(%arg7 : memref<32x1024xf32, #tpu.memory_space<vmem>>) offsets(%dma_start3A_8 : memref<32xi32, #tpu.memory_space<vmem>>) semaphore(%arg9 : memref<!tpu.dma_semaphore, #tpu.memory_space<semaphore_mem>>)
    %dma_wait3A = arith.constant 0 : i32
    %dma_wait3A_12 = tpu.memref_slice %arg5[%dma_wait3A] : memref<128xi32, #tpu.memory_space<vmem>> -> memref<32xi32, #tpu.memory_space<vmem>>
    %dma_wait3A_13 = arith.constant 0 : i32
    %dma_wait3A_14 = arith.constant 0 : i32
    %dma_wait3A_15 = tpu.memref_slice %arg3[%dma_wait3A_13, %dma_wait3A_14] : memref<151936x1024xf32, #tpu.memory_space<hbm>> -> memref<151936x1024xf32, #tpu.memory_space<hbm>>
    tpu.wait_indirect_dma semaphore(%arg8 : memref<!tpu.dma_semaphore, #tpu.memory_space<semaphore_mem>>) src(%dma_wait3A_15 : memref<151936x1024xf32, #tpu.memory_space<hbm>>) dst(%arg6 : memref<32x1024xf32, #tpu.memory_space<vmem>>)
    %add3A_16 = arith.constant 0 : i32
    %add3A_17 = arith.addi %mul3A_2, %add3A_16 : i32
    %dma_start3A_18 = arith.constant 0 : i32
    %dma_start3A_19 = tpu.memref_slice %arg4[%add3A_17, %dma_start3A_18] : memref<4096x1024xf32, #tpu.memory_space<hbm>> -> memref<32x1024xf32, #tpu.memory_space<hbm>>
    %dma_start3A_20 = arith.constant 0 : i32
    %dma_start3A_21 = tpu.memref_slice %arg4[%add3A_17, %dma_start3A_20] : memref<4096x1024xf32, #tpu.memory_space<hbm>> -> memref<32x1024xf32, #tpu.memory_space<hbm>>
    tpu.enqueue_dma source(%arg6 : memref<32x1024xf32, #tpu.memory_space<vmem>>) target(%dma_start3A_21 : memref<32x1024xf32, #tpu.memory_space<hbm>>) target_semaphore(%arg10 : memref<!tpu.dma_semaphore, #tpu.memory_space<semaphore_mem>>)
    %dma_wait3A_22 = arith.constant 0 : i32
    %dma_wait3A_23 = tpu.memref_slice %arg4[%add3A_17, %dma_wait3A_22] : memref<4096x1024xf32, #tpu.memory_space<hbm>> -> memref<32x1024xf32, #tpu.memory_space<hbm>>
    %dma_wait3A_24 = arith.constant 0 : i32
    %dma_wait3A_25 = tpu.memref_slice %arg4[%add3A_17, %dma_wait3A_24] : memref<4096x1024xf32, #tpu.memory_space<hbm>> -> memref<32x1024xf32, #tpu.memory_space<hbm>>
    tpu.wait_dma2 semaphore(%arg10 : memref<!tpu.dma_semaphore, #tpu.memory_space<semaphore_mem>>) src(%arg6 : memref<32x1024xf32, #tpu.memory_space<vmem>>) dst(%dma_wait3A_25 : memref<32x1024xf32, #tpu.memory_space<hbm>>)
    %dma_start3A_26 = arith.constant 64 : i32
    %dma_start3A_27 = tpu.memref_slice %arg5[%dma_start3A_26] : memref<128xi32, #tpu.memory_space<vmem>> -> memref<32xi32, #tpu.memory_space<vmem>>
    %dma_start3A_28 = arith.constant 0 : i32
    %dma_start3A_29 = arith.constant 0 : i32
    %dma_start3A_30 = tpu.memref_slice %arg3[%dma_start3A_28, %dma_start3A_29] : memref<151936x1024xf32, #tpu.memory_space<hbm>> -> memref<151936x1024xf32, #tpu.memory_space<hbm>>
    tpu.enqueue_indirect_dma source(%dma_start3A_30 : memref<151936x1024xf32, #tpu.memory_space<hbm>>) target(%arg6 : memref<32x1024xf32, #tpu.memory_space<vmem>>) offsets(%dma_start3A_27 : memref<32xi32, #tpu.memory_space<vmem>>) semaphore(%arg8 : memref<!tpu.dma_semaphore, #tpu.memory_space<semaphore_mem>>)
    %dma_wait3A_31 = arith.constant 32 : i32
    %dma_wait3A_32 = tpu.memref_slice %arg5[%dma_wait3A_31] : memref<128xi32, #tpu.memory_space<vmem>> -> memref<32xi32, #tpu.memory_space<vmem>>
    %dma_wait3A_33 = arith.constant 0 : i32
    %dma_wait3A_34 = arith.constant 0 : i32
    %dma_wait3A_35 = tpu.memref_slice %arg3[%dma_wait3A_33, %dma_wait3A_34] : memref<151936x1024xf32, #tpu.memory_space<hbm>> -> memref<151936x1024xf32, #tpu.memory_space<hbm>>
    tpu.wait_indirect_dma semaphore(%arg9 : memref<!tpu.dma_semaphore, #tpu.memory_space<semaphore_mem>>) src(%dma_wait3A_35 : memref<151936x1024xf32, #tpu.memory_space<hbm>>) dst(%arg7 : memref<32x1024xf32, #tpu.memory_space<vmem>>)
    %add3A_36 = arith.constant 32 : i32
    %add3A_37 = arith.addi %mul3A_2, %add3A_36 : i32
    %dma_start3A_38 = arith.constant 0 : i32
    %dma_start3A_39 = tpu.memref_slice %arg4[%add3A_37, %dma_start3A_38] : memref<4096x1024xf32, #tpu.memory_space<hbm>> -> memref<32x1024xf32, #tpu.memory_space<hbm>>
    %dma_start3A_40 = arith.constant 0 : i32
    %dma_start3A_41 = tpu.memref_slice %arg4[%add3A_37, %dma_start3A_40] : memref<4096x1024xf32, #tpu.memory_space<hbm>> -> memref<32x1024xf32, #tpu.memory_space<hbm>>
    tpu.enqueue_dma source(%arg7 : memref<32x1024xf32, #tpu.memory_space<vmem>>) target(%dma_start3A_41 : memref<32x1024xf32, #tpu.memory_space<hbm>>) target_semaphore(%arg11 : memref<!tpu.dma_semaphore, #tpu.memory_space<semaphore_mem>>)
    %dma_wait3A_42 = arith.constant 0 : i32
    %dma_wait3A_43 = tpu.memref_slice %arg4[%add3A_37, %dma_wait3A_42] : memref<4096x1024xf32, #tpu.memory_space<hbm>> -> memref<32x1024xf32, #tpu.memory_space<hbm>>
    %dma_wait3A_44 = arith.constant 0 : i32
    %dma_wait3A_45 = tpu.memref_slice %arg4[%add3A_37, %dma_wait3A_44] : memref<4096x1024xf32, #tpu.memory_space<hbm>> -> memref<32x1024xf32, #tpu.memory_space<hbm>>
    tpu.wait_dma2 semaphore(%arg11 : memref<!tpu.dma_semaphore, #tpu.memory_space<semaphore_mem>>) src(%arg7 : memref<32x1024xf32, #tpu.memory_space<vmem>>) dst(%dma_wait3A_45 : memref<32x1024xf32, #tpu.memory_space<hbm>>)
    %dma_start3A_46 = arith.constant 96 : i32
    %dma_start3A_47 = tpu.memref_slice %arg5[%dma_start3A_46] : memref<128xi32, #tpu.memory_space<vmem>> -> memref<32xi32, #tpu.memory_space<vmem>>
    %dma_start3A_48 = arith.constant 0 : i32
    %dma_start3A_49 = arith.constant 0 : i32
    %dma_start3A_50 = tpu.memref_slice %arg3[%dma_start3A_48, %dma_start3A_49] : memref<151936x1024xf32, #tpu.memory_space<hbm>> -> memref<151936x1024xf32, #tpu.memory_space<hbm>>
    tpu.enqueue_indirect_dma source(%dma_start3A_50 : memref<151936x1024xf32, #tpu.memory_space<hbm>>) target(%arg7 : memref<32x1024xf32, #tpu.memory_space<vmem>>) offsets(%dma_start3A_47 : memref<32xi32, #tpu.memory_space<vmem>>) semaphore(%arg9 : memref<!tpu.dma_semaphore, #tpu.memory_space<semaphore_mem>>)
    %dma_wait3A_51 = arith.constant 64 : i32
    %dma_wait3A_52 = tpu.memref_slice %arg5[%dma_wait3A_51] : memref<128xi32, #tpu.memory_space<vmem>> -> memref<32xi32, #tpu.memory_space<vmem>>
    %dma_wait3A_53 = arith.constant 0 : i32
    %dma_wait3A_54 = arith.constant 0 : i32
    %dma_wait3A_55 = tpu.memref_slice %arg3[%dma_wait3A_53, %dma_wait3A_54] : memref<151936x1024xf32, #tpu.memory_space<hbm>> -> memref<151936x1024xf32, #tpu.memory_space<hbm>>
    tpu.wait_indirect_dma semaphore(%arg8 : memref<!tpu.dma_semaphore, #tpu.memory_space<semaphore_mem>>) src(%dma_wait3A_55 : memref<151936x1024xf32, #tpu.memory_space<hbm>>) dst(%arg6 : memref<32x1024xf32, #tpu.memory_space<vmem>>)
    %add3A_56 = arith.constant 64 : i32
    %add3A_57 = arith.addi %mul3A_2, %add3A_56 : i32
    %dma_start3A_58 = arith.constant 0 : i32
    %dma_start3A_59 = tpu.memref_slice %arg4[%add3A_57, %dma_start3A_58] : memref<4096x1024xf32, #tpu.memory_space<hbm>> -> memref<32x1024xf32, #tpu.memory_space<hbm>>
    %dma_start3A_60 = arith.constant 0 : i32
    %dma_start3A_61 = tpu.memref_slice %arg4[%add3A_57, %dma_start3A_60] : memref<4096x1024xf32, #tpu.memory_space<hbm>> -> memref<32x1024xf32, #tpu.memory_space<hbm>>
    tpu.enqueue_dma source(%arg6 : memref<32x1024xf32, #tpu.memory_space<vmem>>) target(%dma_start3A_61 : memref<32x1024xf32, #tpu.memory_space<hbm>>) target_semaphore(%arg10 : memref<!tpu.dma_semaphore, #tpu.memory_space<semaphore_mem>>)
    %dma_wait3A_62 = arith.constant 96 : i32
    %dma_wait3A_63 = tpu.memref_slice %arg5[%dma_wait3A_62] : memref<128xi32, #tpu.memory_space<vmem>> -> memref<32xi32, #tpu.memory_space<vmem>>
    %dma_wait3A_64 = arith.constant 0 : i32
    %dma_wait3A_65 = arith.constant 0 : i32
    %dma_wait3A_66 = tpu.memref_slice %arg3[%dma_wait3A_64, %dma_wait3A_65] : memref<151936x1024xf32, #tpu.memory_space<hbm>> -> memref<151936x1024xf32, #tpu.memory_space<hbm>>
    tpu.wait_indirect_dma semaphore(%arg9 : memref<!tpu.dma_semaphore, #tpu.memory_space<semaphore_mem>>) src(%dma_wait3A_66 : memref<151936x1024xf32, #tpu.memory_space<hbm>>) dst(%arg7 : memref<32x1024xf32, #tpu.memory_space<vmem>>)
    %add3A_67 = arith.constant 96 : i32
    %add3A_68 = arith.addi %mul3A_2, %add3A_67 : i32
    "tpu.region"() ({
      %run_scoped3A = tpu.sem_alloc : memref<!tpu.dma_semaphore, #tpu.memory_space<semaphore_mem>>
      %dma_start3A_73 = arith.constant 0 : i32
      %dma_start3A_74 = tpu.memref_slice %arg4[%add3A_68, %dma_start3A_73] : memref<4096x1024xf32, #tpu.memory_space<hbm>> -> memref<32x1024xf32, #tpu.memory_space<hbm>>
      %dma_start3A_75 = arith.constant 0 : i32
      %dma_start3A_76 = tpu.memref_slice %arg4[%add3A_68, %dma_start3A_75] : memref<4096x1024xf32, #tpu.memory_space<hbm>> -> memref<32x1024xf32, #tpu.memory_space<hbm>>
      tpu.enqueue_dma source(%arg7 : memref<32x1024xf32, #tpu.memory_space<vmem>>) target(%dma_start3A_76 : memref<32x1024xf32, #tpu.memory_space<hbm>>) target_semaphore(%run_scoped3A : memref<!tpu.dma_semaphore, #tpu.memory_space<semaphore_mem>>)
      %dma_wait3A_77 = arith.constant 0 : i32
      %dma_wait3A_78 = tpu.memref_slice %arg4[%add3A_68, %dma_wait3A_77] : memref<4096x1024xf32, #tpu.memory_space<hbm>> -> memref<32x1024xf32, #tpu.memory_space<hbm>>
      %dma_wait3A_79 = arith.constant 0 : i32
      %dma_wait3A_80 = tpu.memref_slice %arg4[%add3A_68, %dma_wait3A_79] : memref<4096x1024xf32, #tpu.memory_space<hbm>> -> memref<32x1024xf32, #tpu.memory_space<hbm>>
      tpu.wait_dma2 semaphore(%run_scoped3A : memref<!tpu.dma_semaphore, #tpu.memory_space<semaphore_mem>>) src(%arg7 : memref<32x1024xf32, #tpu.memory_space<vmem>>) dst(%dma_wait3A_80 : memref<32x1024xf32, #tpu.memory_space<hbm>>)
      tpu.yield
    }) : () -> ()
    %dma_wait3A_69 = arith.constant 0 : i32
    %dma_wait3A_70 = tpu.memref_slice %arg4[%add3A_57, %dma_wait3A_69] : memref<4096x1024xf32, #tpu.memory_space<hbm>> -> memref<32x1024xf32, #tpu.memory_space<hbm>>
    %dma_wait3A_71 = arith.constant 0 : i32
    %dma_wait3A_72 = tpu.memref_slice %arg4[%add3A_57, %dma_wait3A_71] : memref<4096x1024xf32, #tpu.memory_space<hbm>> -> memref<32x1024xf32, #tpu.memory_space<hbm>>
    tpu.wait_dma2 semaphore(%arg10 : memref<!tpu.dma_semaphore, #tpu.memory_space<semaphore_mem>>) src(%arg6 : memref<32x1024xf32, #tpu.memory_space<vmem>>) dst(%dma_wait3A_72 : memref<32x1024xf32, #tpu.memory_space<hbm>>)
    return
  }
}

module attributes {stable_mosaic.version = 14 : i64} {
  func.func @_mm_body_lo(%arg0: i32, %arg1: memref<512x1024xf32, #tpu.memory_space<vmem>>, %arg2: memref<1024x1024xf32, #tpu.memory_space<vmem>>, %arg3: memref<1x1024xf32, #tpu.memory_space<vmem>>, %arg4: memref<512x1024xf32, #tpu.memory_space<vmem>>) attributes {dimension_semantics = [#tpu.dimension_semantics<arbitrary>], iteration_bounds = array<i64: 8>, scalar_prefetch = 0 : i64, scratch_operands = 0 : i64, tpu.core_type = #tpu.core_type<tc>, window_params = [{transform_indices = @transform_0, window_bounds = array<i64: 512, 1024>}, {pipeline_mode = #tpu.pipeline_mode<synchronous>, transform_indices = @transform_1, window_bounds = array<i64: 1024, 1024>}, {pipeline_mode = #tpu.pipeline_mode<synchronous>, transform_indices = @transform_2, window_bounds = array<i64: 1, 1024>}, {transform_indices = @transform_3, window_bounds = array<i64: 512, 1024>}]} {
    %add3A = arith.constant 0 : i32
    %add3A_0 = arith.addi %arg0, %add3A : i32
    %mul3A = arith.constant 524288 : i32
    %mul3A_1 = arith.muli %add3A_0, %mul3A : i32
    %iota3A = tpu.iota {dimensions = array<i32: 0>} : vector<512x1024xi32>
    %iota3A_2 = tpu.iota {dimensions = array<i32: 1>} : vector<512x1024xi32>
    %mul3A_3 = arith.constant 1024 : i32
    %mul3A_4 = vector.broadcast %mul3A_3 : i32 to vector<512x1024xi32>
    %mul3A_5 = arith.muli %iota3A, %mul3A_4 : vector<512x1024xi32>
    %add3A_6 = vector.broadcast %mul3A_1 : i32 to vector<512x1024xi32>
    %add3A_7 = arith.addi %add3A_6, %mul3A_5 : vector<512x1024xi32>
    %add3A_8 = arith.addi %add3A_7, %iota3A_2 : vector<512x1024xi32>
    %broadcast_in_dim3A = arith.constant 0 : i32
    %broadcast_in_dim3A_9 = vector.broadcast %broadcast_in_dim3A : i32 to vector<512x1024xi32>
    %threefry2x323A = arith.constant 0 : i32
    %threefry2x323A_10 = arith.constant 42 : i32
    "tpu.trace_start"() <{level = 10 : i32, message = "threefry2x32"}> : () -> ()
    %threefry2x323A_11 = arith.xori %threefry2x323A, %threefry2x323A_10 : i32
    %threefry2x323A_12 = arith.constant 466688986 : i32
    %threefry2x323A_13 = arith.xori %threefry2x323A_11, %threefry2x323A_12 : i32
    %threefry2x323A_14 = vector.broadcast %threefry2x323A : i32 to vector<512x1024xi32>
    %threefry2x323A_15 = arith.addi %broadcast_in_dim3A_9, %threefry2x323A_14 : vector<512x1024xi32>
    %threefry2x323A_16 = vector.broadcast %threefry2x323A_10 : i32 to vector<512x1024xi32>
    %threefry2x323A_17 = arith.addi %add3A_8, %threefry2x323A_16 : vector<512x1024xi32>
    %threefry2x323A_18 = arith.addi %threefry2x323A_15, %threefry2x323A_17 : vector<512x1024xi32>
    %threefry2x323A_19 = arith.constant 13 : i32
    %threefry2x323A_20 = vector.broadcast %threefry2x323A_19 : i32 to vector<512x1024xi32>
    %threefry2x323A_21 = arith.shli %threefry2x323A_17, %threefry2x323A_20 : vector<512x1024xi32>
    %threefry2x323A_22 = arith.constant 19 : i32
    %threefry2x323A_23 = vector.broadcast %threefry2x323A_22 : i32 to vector<512x1024xi32>
    %threefry2x323A_24 = arith.shrui %threefry2x323A_17, %threefry2x323A_23 : vector<512x1024xi32>
    %threefry2x323A_25 = arith.ori %threefry2x323A_21, %threefry2x323A_24 : vector<512x1024xi32>
    %threefry2x323A_26 = arith.xori %threefry2x323A_18, %threefry2x323A_25 : vector<512x1024xi32>
    %threefry2x323A_27 = arith.addi %threefry2x323A_18, %threefry2x323A_26 : vector<512x1024xi32>
    %threefry2x323A_28 = arith.constant 15 : i32
    %threefry2x323A_29 = vector.broadcast %threefry2x323A_28 : i32 to vector<512x1024xi32>
    %threefry2x323A_30 = arith.shli %threefry2x323A_26, %threefry2x323A_29 : vector<512x1024xi32>
    %threefry2x323A_31 = arith.constant 17 : i32
    %threefry2x323A_32 = vector.broadcast %threefry2x323A_31 : i32 to vector<512x1024xi32>
    %threefry2x323A_33 = arith.shrui %threefry2x323A_26, %threefry2x323A_32 : vector<512x1024xi32>
    %threefry2x323A_34 = arith.ori %threefry2x323A_30, %threefry2x323A_33 : vector<512x1024xi32>
    %threefry2x323A_35 = arith.xori %threefry2x323A_27, %threefry2x323A_34 : vector<512x1024xi32>
    %threefry2x323A_36 = arith.addi %threefry2x323A_27, %threefry2x323A_35 : vector<512x1024xi32>
    %threefry2x323A_37 = arith.constant 26 : i32
    %threefry2x323A_38 = vector.broadcast %threefry2x323A_37 : i32 to vector<512x1024xi32>
    %threefry2x323A_39 = arith.shli %threefry2x323A_35, %threefry2x323A_38 : vector<512x1024xi32>
    %threefry2x323A_40 = arith.constant 6 : i32
    %threefry2x323A_41 = vector.broadcast %threefry2x323A_40 : i32 to vector<512x1024xi32>
    %threefry2x323A_42 = arith.shrui %threefry2x323A_35, %threefry2x323A_41 : vector<512x1024xi32>
    %threefry2x323A_43 = arith.ori %threefry2x323A_39, %threefry2x323A_42 : vector<512x1024xi32>
    %threefry2x323A_44 = arith.xori %threefry2x323A_36, %threefry2x323A_43 : vector<512x1024xi32>
    %threefry2x323A_45 = arith.addi %threefry2x323A_36, %threefry2x323A_44 : vector<512x1024xi32>
    %threefry2x323A_46 = arith.constant 6 : i32
    %threefry2x323A_47 = vector.broadcast %threefry2x323A_46 : i32 to vector<512x1024xi32>
    %threefry2x323A_48 = arith.shli %threefry2x323A_44, %threefry2x323A_47 : vector<512x1024xi32>
    %threefry2x323A_49 = arith.constant 26 : i32
    %threefry2x323A_50 = vector.broadcast %threefry2x323A_49 : i32 to vector<512x1024xi32>
    %threefry2x323A_51 = arith.shrui %threefry2x323A_44, %threefry2x323A_50 : vector<512x1024xi32>
    %threefry2x323A_52 = arith.ori %threefry2x323A_48, %threefry2x323A_51 : vector<512x1024xi32>
    %threefry2x323A_53 = arith.xori %threefry2x323A_45, %threefry2x323A_52 : vector<512x1024xi32>
    %threefry2x323A_54 = vector.broadcast %threefry2x323A_10 : i32 to vector<512x1024xi32>
    %threefry2x323A_55 = arith.addi %threefry2x323A_45, %threefry2x323A_54 : vector<512x1024xi32>
    %threefry2x323A_56 = vector.broadcast %threefry2x323A_13 : i32 to vector<512x1024xi32>
    %threefry2x323A_57 = arith.addi %threefry2x323A_53, %threefry2x323A_56 : vector<512x1024xi32>
    %threefry2x323A_58 = arith.constant 1 : i32
    %threefry2x323A_59 = vector.broadcast %threefry2x323A_58 : i32 to vector<512x1024xi32>
    %threefry2x323A_60 = arith.addi %threefry2x323A_57, %threefry2x323A_59 : vector<512x1024xi32>
    %threefry2x323A_61 = arith.addi %threefry2x323A_55, %threefry2x323A_60 : vector<512x1024xi32>
    %threefry2x323A_62 = arith.constant 17 : i32
    %threefry2x323A_63 = vector.broadcast %threefry2x323A_62 : i32 to vector<512x1024xi32>
    %threefry2x323A_64 = arith.shli %threefry2x323A_60, %threefry2x323A_63 : vector<512x1024xi32>
    %threefry2x323A_65 = arith.constant 15 : i32
    %threefry2x323A_66 = vector.broadcast %threefry2x323A_65 : i32 to vector<512x1024xi32>
    %threefry2x323A_67 = arith.shrui %threefry2x323A_60, %threefry2x323A_66 : vector<512x1024xi32>
    %threefry2x323A_68 = arith.ori %threefry2x323A_64, %threefry2x323A_67 : vector<512x1024xi32>
    %threefry2x323A_69 = arith.xori %threefry2x323A_61, %threefry2x323A_68 : vector<512x1024xi32>
    %threefry2x323A_70 = arith.addi %threefry2x323A_61, %threefry2x323A_69 : vector<512x1024xi32>
    %threefry2x323A_71 = arith.constant 29 : i32
    %threefry2x323A_72 = vector.broadcast %threefry2x323A_71 : i32 to vector<512x1024xi32>
    %threefry2x323A_73 = arith.shli %threefry2x323A_69, %threefry2x323A_72 : vector<512x1024xi32>
    %threefry2x323A_74 = arith.constant 3 : i32
    %threefry2x323A_75 = vector.broadcast %threefry2x323A_74 : i32 to vector<512x1024xi32>
    %threefry2x323A_76 = arith.shrui %threefry2x323A_69, %threefry2x323A_75 : vector<512x1024xi32>
    %threefry2x323A_77 = arith.ori %threefry2x323A_73, %threefry2x323A_76 : vector<512x1024xi32>
    %threefry2x323A_78 = arith.xori %threefry2x323A_70, %threefry2x323A_77 : vector<512x1024xi32>
    %threefry2x323A_79 = arith.addi %threefry2x323A_70, %threefry2x323A_78 : vector<512x1024xi32>
    %threefry2x323A_80 = arith.constant 16 : i32
    %threefry2x323A_81 = vector.broadcast %threefry2x323A_80 : i32 to vector<512x1024xi32>
    %threefry2x323A_82 = arith.shli %threefry2x323A_78, %threefry2x323A_81 : vector<512x1024xi32>
    %threefry2x323A_83 = arith.constant 16 : i32
    %threefry2x323A_84 = vector.broadcast %threefry2x323A_83 : i32 to vector<512x1024xi32>
    %threefry2x323A_85 = arith.shrui %threefry2x323A_78, %threefry2x323A_84 : vector<512x1024xi32>
    %threefry2x323A_86 = arith.ori %threefry2x323A_82, %threefry2x323A_85 : vector<512x1024xi32>
    %threefry2x323A_87 = arith.xori %threefry2x323A_79, %threefry2x323A_86 : vector<512x1024xi32>
    %threefry2x323A_88 = arith.addi %threefry2x323A_79, %threefry2x323A_87 : vector<512x1024xi32>
    %threefry2x323A_89 = arith.constant 24 : i32
    %threefry2x323A_90 = vector.broadcast %threefry2x323A_89 : i32 to vector<512x1024xi32>
    %threefry2x323A_91 = arith.shli %threefry2x323A_87, %threefry2x323A_90 : vector<512x1024xi32>
    %threefry2x323A_92 = arith.constant 8 : i32
    %threefry2x323A_93 = vector.broadcast %threefry2x323A_92 : i32 to vector<512x1024xi32>
    %threefry2x323A_94 = arith.shrui %threefry2x323A_87, %threefry2x323A_93 : vector<512x1024xi32>
    %threefry2x323A_95 = arith.ori %threefry2x323A_91, %threefry2x323A_94 : vector<512x1024xi32>
    %threefry2x323A_96 = arith.xori %threefry2x323A_88, %threefry2x323A_95 : vector<512x1024xi32>
    %threefry2x323A_97 = vector.broadcast %threefry2x323A_13 : i32 to vector<512x1024xi32>
    %threefry2x323A_98 = arith.addi %threefry2x323A_88, %threefry2x323A_97 : vector<512x1024xi32>
    %threefry2x323A_99 = vector.broadcast %threefry2x323A : i32 to vector<512x1024xi32>
    %threefry2x323A_100 = arith.addi %threefry2x323A_96, %threefry2x323A_99 : vector<512x1024xi32>
    %threefry2x323A_101 = arith.constant 2 : i32
    %threefry2x323A_102 = vector.broadcast %threefry2x323A_101 : i32 to vector<512x1024xi32>
    %threefry2x323A_103 = arith.addi %threefry2x323A_100, %threefry2x323A_102 : vector<512x1024xi32>
    %threefry2x323A_104 = arith.addi %threefry2x323A_98, %threefry2x323A_103 : vector<512x1024xi32>
    %threefry2x323A_105 = arith.constant 13 : i32
    %threefry2x323A_106 = vector.broadcast %threefry2x323A_105 : i32 to vector<512x1024xi32>
    %threefry2x323A_107 = arith.shli %threefry2x323A_103, %threefry2x323A_106 : vector<512x1024xi32>
    %threefry2x323A_108 = arith.constant 19 : i32
    %threefry2x323A_109 = vector.broadcast %threefry2x323A_108 : i32 to vector<512x1024xi32>
    %threefry2x323A_110 = arith.shrui %threefry2x323A_103, %threefry2x323A_109 : vector<512x1024xi32>
    %threefry2x323A_111 = arith.ori %threefry2x323A_107, %threefry2x323A_110 : vector<512x1024xi32>
    %threefry2x323A_112 = arith.xori %threefry2x323A_104, %threefry2x323A_111 : vector<512x1024xi32>
    %threefry2x323A_113 = arith.addi %threefry2x323A_104, %threefry2x323A_112 : vector<512x1024xi32>
    %threefry2x323A_114 = arith.constant 15 : i32
    %threefry2x323A_115 = vector.broadcast %threefry2x323A_114 : i32 to vector<512x1024xi32>
    %threefry2x323A_116 = arith.shli %threefry2x323A_112, %threefry2x323A_115 : vector<512x1024xi32>
    %threefry2x323A_117 = arith.constant 17 : i32
    %threefry2x323A_118 = vector.broadcast %threefry2x323A_117 : i32 to vector<512x1024xi32>
    %threefry2x323A_119 = arith.shrui %threefry2x323A_112, %threefry2x323A_118 : vector<512x1024xi32>
    %threefry2x323A_120 = arith.ori %threefry2x323A_116, %threefry2x323A_119 : vector<512x1024xi32>
    %threefry2x323A_121 = arith.xori %threefry2x323A_113, %threefry2x323A_120 : vector<512x1024xi32>
    %threefry2x323A_122 = arith.addi %threefry2x323A_113, %threefry2x323A_121 : vector<512x1024xi32>
    %threefry2x323A_123 = arith.constant 26 : i32
    %threefry2x323A_124 = vector.broadcast %threefry2x323A_123 : i32 to vector<512x1024xi32>
    %threefry2x323A_125 = arith.shli %threefry2x323A_121, %threefry2x323A_124 : vector<512x1024xi32>
    %threefry2x323A_126 = arith.constant 6 : i32
    %threefry2x323A_127 = vector.broadcast %threefry2x323A_126 : i32 to vector<512x1024xi32>
    %threefry2x323A_128 = arith.shrui %threefry2x323A_121, %threefry2x323A_127 : vector<512x1024xi32>
    %threefry2x323A_129 = arith.ori %threefry2x323A_125, %threefry2x323A_128 : vector<512x1024xi32>
    %threefry2x323A_130 = arith.xori %threefry2x323A_122, %threefry2x323A_129 : vector<512x1024xi32>
    %threefry2x323A_131 = arith.addi %threefry2x323A_122, %threefry2x323A_130 : vector<512x1024xi32>
    %threefry2x323A_132 = arith.constant 6 : i32
    %threefry2x323A_133 = vector.broadcast %threefry2x323A_132 : i32 to vector<512x1024xi32>
    %threefry2x323A_134 = arith.shli %threefry2x323A_130, %threefry2x323A_133 : vector<512x1024xi32>
    %threefry2x323A_135 = arith.constant 26 : i32
    %threefry2x323A_136 = vector.broadcast %threefry2x323A_135 : i32 to vector<512x1024xi32>
    %threefry2x323A_137 = arith.shrui %threefry2x323A_130, %threefry2x323A_136 : vector<512x1024xi32>
    %threefry2x323A_138 = arith.ori %threefry2x323A_134, %threefry2x323A_137 : vector<512x1024xi32>
    %threefry2x323A_139 = arith.xori %threefry2x323A_131, %threefry2x323A_138 : vector<512x1024xi32>
    %threefry2x323A_140 = vector.broadcast %threefry2x323A : i32 to vector<512x1024xi32>
    %threefry2x323A_141 = arith.addi %threefry2x323A_131, %threefry2x323A_140 : vector<512x1024xi32>
    %threefry2x323A_142 = vector.broadcast %threefry2x323A_10 : i32 to vector<512x1024xi32>
    %threefry2x323A_143 = arith.addi %threefry2x323A_139, %threefry2x323A_142 : vector<512x1024xi32>
    %threefry2x323A_144 = arith.constant 3 : i32
    %threefry2x323A_145 = vector.broadcast %threefry2x323A_144 : i32 to vector<512x1024xi32>
    %threefry2x323A_146 = arith.addi %threefry2x323A_143, %threefry2x323A_145 : vector<512x1024xi32>
    %threefry2x323A_147 = arith.addi %threefry2x323A_141, %threefry2x323A_146 : vector<512x1024xi32>
    %threefry2x323A_148 = arith.constant 17 : i32
    %threefry2x323A_149 = vector.broadcast %threefry2x323A_148 : i32 to vector<512x1024xi32>
    %threefry2x323A_150 = arith.shli %threefry2x323A_146, %threefry2x323A_149 : vector<512x1024xi32>
    %threefry2x323A_151 = arith.constant 15 : i32
    %threefry2x323A_152 = vector.broadcast %threefry2x323A_151 : i32 to vector<512x1024xi32>
    %threefry2x323A_153 = arith.shrui %threefry2x323A_146, %threefry2x323A_152 : vector<512x1024xi32>
    %threefry2x323A_154 = arith.ori %threefry2x323A_150, %threefry2x323A_153 : vector<512x1024xi32>
    %threefry2x323A_155 = arith.xori %threefry2x323A_147, %threefry2x323A_154 : vector<512x1024xi32>
    %threefry2x323A_156 = arith.addi %threefry2x323A_147, %threefry2x323A_155 : vector<512x1024xi32>
    %threefry2x323A_157 = arith.constant 29 : i32
    %threefry2x323A_158 = vector.broadcast %threefry2x323A_157 : i32 to vector<512x1024xi32>
    %threefry2x323A_159 = arith.shli %threefry2x323A_155, %threefry2x323A_158 : vector<512x1024xi32>
    %threefry2x323A_160 = arith.constant 3 : i32
    %threefry2x323A_161 = vector.broadcast %threefry2x323A_160 : i32 to vector<512x1024xi32>
    %threefry2x323A_162 = arith.shrui %threefry2x323A_155, %threefry2x323A_161 : vector<512x1024xi32>
    %threefry2x323A_163 = arith.ori %threefry2x323A_159, %threefry2x323A_162 : vector<512x1024xi32>
    %threefry2x323A_164 = arith.xori %threefry2x323A_156, %threefry2x323A_163 : vector<512x1024xi32>
    %threefry2x323A_165 = arith.addi %threefry2x323A_156, %threefry2x323A_164 : vector<512x1024xi32>
    %threefry2x323A_166 = arith.constant 16 : i32
    %threefry2x323A_167 = vector.broadcast %threefry2x323A_166 : i32 to vector<512x1024xi32>
    %threefry2x323A_168 = arith.shli %threefry2x323A_164, %threefry2x323A_167 : vector<512x1024xi32>
    %threefry2x323A_169 = arith.constant 16 : i32
    %threefry2x323A_170 = vector.broadcast %threefry2x323A_169 : i32 to vector<512x1024xi32>
    %threefry2x323A_171 = arith.shrui %threefry2x323A_164, %threefry2x323A_170 : vector<512x1024xi32>
    %threefry2x323A_172 = arith.ori %threefry2x323A_168, %threefry2x323A_171 : vector<512x1024xi32>
    %threefry2x323A_173 = arith.xori %threefry2x323A_165, %threefry2x323A_172 : vector<512x1024xi32>
    %threefry2x323A_174 = arith.addi %threefry2x323A_165, %threefry2x323A_173 : vector<512x1024xi32>
    %threefry2x323A_175 = arith.constant 24 : i32
    %threefry2x323A_176 = vector.broadcast %threefry2x323A_175 : i32 to vector<512x1024xi32>
    %threefry2x323A_177 = arith.shli %threefry2x323A_173, %threefry2x323A_176 : vector<512x1024xi32>
    %threefry2x323A_178 = arith.constant 8 : i32
    %threefry2x323A_179 = vector.broadcast %threefry2x323A_178 : i32 to vector<512x1024xi32>
    %threefry2x323A_180 = arith.shrui %threefry2x323A_173, %threefry2x323A_179 : vector<512x1024xi32>
    %threefry2x323A_181 = arith.ori %threefry2x323A_177, %threefry2x323A_180 : vector<512x1024xi32>
    %threefry2x323A_182 = arith.xori %threefry2x323A_174, %threefry2x323A_181 : vector<512x1024xi32>
    %threefry2x323A_183 = vector.broadcast %threefry2x323A_10 : i32 to vector<512x1024xi32>
    %threefry2x323A_184 = arith.addi %threefry2x323A_174, %threefry2x323A_183 : vector<512x1024xi32>
    %threefry2x323A_185 = vector.broadcast %threefry2x323A_13 : i32 to vector<512x1024xi32>
    %threefry2x323A_186 = arith.addi %threefry2x323A_182, %threefry2x323A_185 : vector<512x1024xi32>
    %threefry2x323A_187 = arith.constant 4 : i32
    %threefry2x323A_188 = vector.broadcast %threefry2x323A_187 : i32 to vector<512x1024xi32>
    %threefry2x323A_189 = arith.addi %threefry2x323A_186, %threefry2x323A_188 : vector<512x1024xi32>
    %threefry2x323A_190 = arith.addi %threefry2x323A_184, %threefry2x323A_189 : vector<512x1024xi32>
    %threefry2x323A_191 = arith.constant 13 : i32
    %threefry2x323A_192 = vector.broadcast %threefry2x323A_191 : i32 to vector<512x1024xi32>
    %threefry2x323A_193 = arith.shli %threefry2x323A_189, %threefry2x323A_192 : vector<512x1024xi32>
    %threefry2x323A_194 = arith.constant 19 : i32
    %threefry2x323A_195 = vector.broadcast %threefry2x323A_194 : i32 to vector<512x1024xi32>
    %threefry2x323A_196 = arith.shrui %threefry2x323A_189, %threefry2x323A_195 : vector<512x1024xi32>
    %threefry2x323A_197 = arith.ori %threefry2x323A_193, %threefry2x323A_196 : vector<512x1024xi32>
    %threefry2x323A_198 = arith.xori %threefry2x323A_190, %threefry2x323A_197 : vector<512x1024xi32>
    %threefry2x323A_199 = arith.addi %threefry2x323A_190, %threefry2x323A_198 : vector<512x1024xi32>
    %threefry2x323A_200 = arith.constant 15 : i32
    %threefry2x323A_201 = vector.broadcast %threefry2x323A_200 : i32 to vector<512x1024xi32>
    %threefry2x323A_202 = arith.shli %threefry2x323A_198, %threefry2x323A_201 : vector<512x1024xi32>
    %threefry2x323A_203 = arith.constant 17 : i32
    %threefry2x323A_204 = vector.broadcast %threefry2x323A_203 : i32 to vector<512x1024xi32>
    %threefry2x323A_205 = arith.shrui %threefry2x323A_198, %threefry2x323A_204 : vector<512x1024xi32>
    %threefry2x323A_206 = arith.ori %threefry2x323A_202, %threefry2x323A_205 : vector<512x1024xi32>
    %threefry2x323A_207 = arith.xori %threefry2x323A_199, %threefry2x323A_206 : vector<512x1024xi32>
    %threefry2x323A_208 = arith.addi %threefry2x323A_199, %threefry2x323A_207 : vector<512x1024xi32>
    %threefry2x323A_209 = arith.constant 26 : i32
    %threefry2x323A_210 = vector.broadcast %threefry2x323A_209 : i32 to vector<512x1024xi32>
    %threefry2x323A_211 = arith.shli %threefry2x323A_207, %threefry2x323A_210 : vector<512x1024xi32>
    %threefry2x323A_212 = arith.constant 6 : i32
    %threefry2x323A_213 = vector.broadcast %threefry2x323A_212 : i32 to vector<512x1024xi32>
    %threefry2x323A_214 = arith.shrui %threefry2x323A_207, %threefry2x323A_213 : vector<512x1024xi32>
    %threefry2x323A_215 = arith.ori %threefry2x323A_211, %threefry2x323A_214 : vector<512x1024xi32>
    %threefry2x323A_216 = arith.xori %threefry2x323A_208, %threefry2x323A_215 : vector<512x1024xi32>
    %threefry2x323A_217 = arith.addi %threefry2x323A_208, %threefry2x323A_216 : vector<512x1024xi32>
    %threefry2x323A_218 = arith.constant 6 : i32
    %threefry2x323A_219 = vector.broadcast %threefry2x323A_218 : i32 to vector<512x1024xi32>
    %threefry2x323A_220 = arith.shli %threefry2x323A_216, %threefry2x323A_219 : vector<512x1024xi32>
    %threefry2x323A_221 = arith.constant 26 : i32
    %threefry2x323A_222 = vector.broadcast %threefry2x323A_221 : i32 to vector<512x1024xi32>
    %threefry2x323A_223 = arith.shrui %threefry2x323A_216, %threefry2x323A_222 : vector<512x1024xi32>
    %threefry2x323A_224 = arith.ori %threefry2x323A_220, %threefry2x323A_223 : vector<512x1024xi32>
    %threefry2x323A_225 = arith.xori %threefry2x323A_217, %threefry2x323A_224 : vector<512x1024xi32>
    %threefry2x323A_226 = vector.broadcast %threefry2x323A_13 : i32 to vector<512x1024xi32>
    %threefry2x323A_227 = arith.addi %threefry2x323A_217, %threefry2x323A_226 : vector<512x1024xi32>
    %threefry2x323A_228 = vector.broadcast %threefry2x323A : i32 to vector<512x1024xi32>
    %threefry2x323A_229 = arith.addi %threefry2x323A_225, %threefry2x323A_228 : vector<512x1024xi32>
    %threefry2x323A_230 = arith.constant 5 : i32
    %threefry2x323A_231 = vector.broadcast %threefry2x323A_230 : i32 to vector<512x1024xi32>
    %threefry2x323A_232 = arith.addi %threefry2x323A_229, %threefry2x323A_231 : vector<512x1024xi32>
    "tpu.trace_stop"() : () -> ()
    %xor3A = arith.xori %threefry2x323A_227, %threefry2x323A_232 : vector<512x1024xi32>
    %shift_right_logical3A = arith.constant 9 : i32
    %shift_right_logical3A_233 = vector.broadcast %shift_right_logical3A : i32 to vector<512x1024xi32>
    %shift_right_logical3A_234 = arith.shrui %xor3A, %shift_right_logical3A_233 : vector<512x1024xi32>
    %or3A = arith.constant 1065353216 : i32
    %or3A_235 = vector.broadcast %or3A : i32 to vector<512x1024xi32>
    %or3A_236 = arith.ori %shift_right_logical3A_234, %or3A_235 : vector<512x1024xi32>
    %bitcast_convert_type3A = tpu.bitcast %or3A_236 : vector<512x1024xi32> -> vector<512x1024xf32>
    %sub3A = arith.constant 1.000000e+00 : f32
    %sub3A_237 = vector.broadcast %sub3A : f32 to vector<512x1024xf32>
    %sub3A_238 = arith.subf %bitcast_convert_type3A, %sub3A_237 : vector<512x1024xf32>
    %mul3A_239 = arith.constant 2.000000e+00 : f32
    %mul3A_240 = vector.broadcast %mul3A_239 : f32 to vector<512x1024xf32>
    %mul3A_241 = arith.mulf %sub3A_238, %mul3A_240 : vector<512x1024xf32>
    %add3A_242 = arith.constant -0.99999994 : f32
    %add3A_243 = vector.broadcast %add3A_242 : f32 to vector<512x1024xf32>
    %add3A_244 = arith.addf %mul3A_241, %add3A_243 : vector<512x1024xf32>
    %max3A = arith.constant -0.99999994 : f32
    %max3A_245 = vector.broadcast %max3A : f32 to vector<512x1024xf32>
    %max3A_246 = arith.maximumf %max3A_245, %add3A_244 : vector<512x1024xf32>
    %mul3A_247 = arith.mulf %max3A_246, %max3A_246 : vector<512x1024xf32>
    %sub3A_248 = arith.constant 1.000000e+00 : f32
    %sub3A_249 = vector.broadcast %sub3A_248 : f32 to vector<512x1024xf32>
    %sub3A_250 = arith.subf %sub3A_249, %mul3A_247 : vector<512x1024xf32>
    %log3A = math.log %sub3A_250 : vector<512x1024xf32>
    %neg3A = arith.constant 0.000000e+00 : f32
    %neg3A_251 = vector.broadcast %neg3A : f32 to vector<512x1024xf32>
    %neg3A_252 = arith.subf %neg3A_251, %log3A : vector<512x1024xf32>
    %sqrt3A = math.sqrt %neg3A_252 : vector<512x1024xf32>
    %broadcast_in_dim3A_253 = arith.constant 0.00361118931 : f32
    %broadcast_in_dim3A_254 = vector.broadcast %broadcast_in_dim3A_253 : f32 to vector<512x1024xf32>
    %mul3A_255 = arith.mulf %broadcast_in_dim3A_254, %sqrt3A : vector<512x1024xf32>
    %add3A_256 = arith.constant -0.026957497 : f32
    %add3A_257 = vector.broadcast %add3A_256 : f32 to vector<512x1024xf32>
    %add3A_258 = arith.addf %mul3A_255, %add3A_257 : vector<512x1024xf32>
    %mul3A_259 = arith.mulf %add3A_258, %sqrt3A : vector<512x1024xf32>
    %add3A_260 = arith.constant 0.0503622554 : f32
    %add3A_261 = vector.broadcast %add3A_260 : f32 to vector<512x1024xf32>
    %add3A_262 = arith.addf %mul3A_259, %add3A_261 : vector<512x1024xf32>
    %mul3A_263 = arith.mulf %add3A_262, %sqrt3A : vector<512x1024xf32>
    %add3A_264 = arith.constant -0.0128880236 : f32
    %add3A_265 = vector.broadcast %add3A_264 : f32 to vector<512x1024xf32>
    %add3A_266 = arith.addf %mul3A_263, %add3A_265 : vector<512x1024xf32>
    %mul3A_267 = arith.mulf %add3A_266, %sqrt3A : vector<512x1024xf32>
    %add3A_268 = arith.constant 0.325018018 : f32
    %add3A_269 = vector.broadcast %add3A_268 : f32 to vector<512x1024xf32>
    %add3A_270 = arith.addf %mul3A_267, %add3A_269 : vector<512x1024xf32>
    %mul3A_271 = arith.mulf %add3A_270, %sqrt3A : vector<512x1024xf32>
    %add3A_272 = arith.constant 0.00217995513 : f32
    %add3A_273 = vector.broadcast %add3A_272 : f32 to vector<512x1024xf32>
    %add3A_274 = arith.addf %mul3A_271, %add3A_273 : vector<512x1024xf32>
    %mul3A_275 = arith.mulf %add3A_274, %sqrt3A : vector<512x1024xf32>
    %add3A_276 = arith.constant 1.25314939 : f32
    %add3A_277 = vector.broadcast %add3A_276 : f32 to vector<512x1024xf32>
    %add3A_278 = arith.addf %mul3A_275, %add3A_277 : vector<512x1024xf32>
    %mul3A_279 = arith.mulf %max3A_246, %add3A_278 : vector<512x1024xf32>
    %mul3A_280 = arith.constant 1.000000e-01 : f32
    %mul3A_281 = vector.broadcast %mul3A_280 : f32 to vector<512x1024xf32>
    %mul3A_282 = arith.mulf %mul3A_279, %mul3A_281 : vector<512x1024xf32>
    %get3A = arith.constant 0 : index
    %get3A_283 = arith.constant 0 : index
    %get3A_284 = vector.load %arg1[%get3A, %get3A_283] : memref<512x1024xf32, #tpu.memory_space<vmem>>, vector<512x1024xf32>
    %convert_element_type3A = arith.truncf %get3A_284 : vector<512x1024xf32> to vector<512x1024xbf16>
    %get3A_285 = arith.constant 0 : index
    %get3A_286 = arith.constant 0 : index
    %get3A_287 = vector.load %arg2[%get3A_285, %get3A_286] : memref<1024x1024xf32, #tpu.memory_space<vmem>>, vector<1024x1024xf32>
    %convert_element_type3A_288 = arith.truncf %get3A_287 : vector<1024x1024xf32> to vector<1024x1024xbf16>
    %dot_general3A = arith.constant dense<0.000000e+00> : vector<512x1024xf32>
    %dot_general3A_289 = tpu.matmul %convert_element_type3A, %convert_element_type3A_288, %dot_general3A {dimension_numbers = #tpu.dot_dimension_numbers<[1], [1], [0], [0], [0, 0, 1, 0], [], []>, transpose_lhs_hint = false} : vector<512x1024xbf16>, vector<1024x1024xbf16>, vector<512x1024xf32> -> vector<512x1024xf32>
    %get3A_290 = arith.constant 0 : index
    %get3A_291 = arith.constant 0 : index
    %get3A_292 = vector.load %arg3[%get3A_290, %get3A_291] : memref<1x1024xf32, #tpu.memory_space<vmem>>, vector<1x1024xf32>
    %add3A_293 = vector.broadcast %get3A_292 : vector<1x1024xf32> to vector<512x1024xf32>
    %add3A_294 = arith.addf %dot_general3A_289, %add3A_293 : vector<512x1024xf32>
    %add3A_295 = arith.addf %add3A_294, %mul3A_282 : vector<512x1024xf32>
    %swap3A = arith.constant 0 : index
    %swap3A_296 = arith.constant 0 : index
    %swap3A_297 = vector.load %arg4[%swap3A, %swap3A_296] : memref<512x1024xf32, #tpu.memory_space<vmem>>, vector<512x1024xf32>
    tpu.vector_store %arg4[%swap3A, %swap3A_296], %add3A_295 {strides = array<i32>} : memref<512x1024xf32, #tpu.memory_space<vmem>>, vector<512x1024xf32>,
    return
  }
  func.func @transform_0(%arg0: i32) -> (i32, i32) {
    %c0_i32 = arith.constant 0 : i32
    %c0_i32_0 = arith.constant 0 : i32
    return %arg0, %c0_i32 : i32, i32
  }
  func.func @transform_1(%arg0: i32) -> (i32, i32) {
    %c0_i32 = arith.constant 0 : i32
    %c0_i32_0 = arith.constant 0 : i32
    %c0_i32_1 = arith.constant 0 : i32
    return %c0_i32, %c0_i32_0 : i32, i32
  }
  func.func @transform_2(%arg0: i32) -> (i32, i32) {
    %c0_i32 = arith.constant 0 : i32
    %c0_i32_0 = arith.constant 0 : i32
    %c0_i32_1 = arith.constant 0 : i32
    return %c0_i32, %c0_i32_0 : i32, i32
  }
  func.func @transform_3(%arg0: i32) -> (i32, i32) {
    %c0_i32 = arith.constant 0 : i32
    %c0_i32_0 = arith.constant 0 : i32
    return %arg0, %c0_i32 : i32, i32
  }
}

module attributes {stable_mosaic.version = 14 : i64} {
  func.func @_mm_body_hi(%arg0: i32, %arg1: memref<8192x1024xf32, #tpu.memory_space<hbm>>, %arg2: memref<512x1024xf32, #tpu.memory_space<vmem>>, %arg3: memref<1024x1024xf32, #tpu.memory_space<vmem>>, %arg4: memref<1x1024xf32, #tpu.memory_space<vmem>>, %arg5: memref<512x1024xf32, #tpu.memory_space<vmem>>) attributes {dimension_semantics = [#tpu.dimension_semantics<arbitrary>], iteration_bounds = array<i64: 8>, scalar_prefetch = 0 : i64, scratch_operands = 0 : i64, tpu.core_type = #tpu.core_type<tc>, window_params = [{}, {transform_indices = @transform_1, window_bounds = array<i64: 512, 1024>}, {pipeline_mode = #tpu.pipeline_mode<synchronous>, transform_indices = @transform_2, window_bounds = array<i64: 1024, 1024>}, {pipeline_mode = #tpu.pipeline_mode<synchronous>, transform_indices = @transform_3, window_bounds = array<i64: 1, 1024>}, {transform_indices = @transform_4, window_bounds = array<i64: 512, 1024>}]} {
    %add3A = arith.constant 8 : i32
    %add3A_0 = arith.addi %arg0, %add3A : i32
    %mul3A = arith.constant 524288 : i32
    %mul3A_1 = arith.muli %add3A_0, %mul3A : i32
    %iota3A = tpu.iota {dimensions = array<i32: 0>} : vector<512x1024xi32>
    %iota3A_2 = tpu.iota {dimensions = array<i32: 1>} : vector<512x1024xi32>
    %mul3A_3 = arith.constant 1024 : i32
    %mul3A_4 = vector.broadcast %mul3A_3 : i32 to vector<512x1024xi32>
    %mul3A_5 = arith.muli %iota3A, %mul3A_4 : vector<512x1024xi32>
    %add3A_6 = vector.broadcast %mul3A_1 : i32 to vector<512x1024xi32>
    %add3A_7 = arith.addi %add3A_6, %mul3A_5 : vector<512x1024xi32>
    %add3A_8 = arith.addi %add3A_7, %iota3A_2 : vector<512x1024xi32>
    %broadcast_in_dim3A = arith.constant 0 : i32
    %broadcast_in_dim3A_9 = vector.broadcast %broadcast_in_dim3A : i32 to vector<512x1024xi32>
    %threefry2x323A = arith.constant 0 : i32
    %threefry2x323A_10 = arith.constant 42 : i32
    "tpu.trace_start"() <{level = 10 : i32, message = "threefry2x32"}> : () -> ()
    %threefry2x323A_11 = arith.xori %threefry2x323A, %threefry2x323A_10 : i32
    %threefry2x323A_12 = arith.constant 466688986 : i32
    %threefry2x323A_13 = arith.xori %threefry2x323A_11, %threefry2x323A_12 : i32
    %threefry2x323A_14 = vector.broadcast %threefry2x323A : i32 to vector<512x1024xi32>
    %threefry2x323A_15 = arith.addi %broadcast_in_dim3A_9, %threefry2x323A_14 : vector<512x1024xi32>
    %threefry2x323A_16 = vector.broadcast %threefry2x323A_10 : i32 to vector<512x1024xi32>
    %threefry2x323A_17 = arith.addi %add3A_8, %threefry2x323A_16 : vector<512x1024xi32>
    %threefry2x323A_18 = arith.addi %threefry2x323A_15, %threefry2x323A_17 : vector<512x1024xi32>
    %threefry2x323A_19 = arith.constant 13 : i32
    %threefry2x323A_20 = vector.broadcast %threefry2x323A_19 : i32 to vector<512x1024xi32>
    %threefry2x323A_21 = arith.shli %threefry2x323A_17, %threefry2x323A_20 : vector<512x1024xi32>
    %threefry2x323A_22 = arith.constant 19 : i32
    %threefry2x323A_23 = vector.broadcast %threefry2x323A_22 : i32 to vector<512x1024xi32>
    %threefry2x323A_24 = arith.shrui %threefry2x323A_17, %threefry2x323A_23 : vector<512x1024xi32>
    %threefry2x323A_25 = arith.ori %threefry2x323A_21, %threefry2x323A_24 : vector<512x1024xi32>
    %threefry2x323A_26 = arith.xori %threefry2x323A_18, %threefry2x323A_25 : vector<512x1024xi32>
    %threefry2x323A_27 = arith.addi %threefry2x323A_18, %threefry2x323A_26 : vector<512x1024xi32>
    %threefry2x323A_28 = arith.constant 15 : i32
    %threefry2x323A_29 = vector.broadcast %threefry2x323A_28 : i32 to vector<512x1024xi32>
    %threefry2x323A_30 = arith.shli %threefry2x323A_26, %threefry2x323A_29 : vector<512x1024xi32>
    %threefry2x323A_31 = arith.constant 17 : i32
    %threefry2x323A_32 = vector.broadcast %threefry2x323A_31 : i32 to vector<512x1024xi32>
    %threefry2x323A_33 = arith.shrui %threefry2x323A_26, %threefry2x323A_32 : vector<512x1024xi32>
    %threefry2x323A_34 = arith.ori %threefry2x323A_30, %threefry2x323A_33 : vector<512x1024xi32>
    %threefry2x323A_35 = arith.xori %threefry2x323A_27, %threefry2x323A_34 : vector<512x1024xi32>
    %threefry2x323A_36 = arith.addi %threefry2x323A_27, %threefry2x323A_35 : vector<512x1024xi32>
    %threefry2x323A_37 = arith.constant 26 : i32
    %threefry2x323A_38 = vector.broadcast %threefry2x323A_37 : i32 to vector<512x1024xi32>
    %threefry2x323A_39 = arith.shli %threefry2x323A_35, %threefry2x323A_38 : vector<512x1024xi32>
    %threefry2x323A_40 = arith.constant 6 : i32
    %threefry2x323A_41 = vector.broadcast %threefry2x323A_40 : i32 to vector<512x1024xi32>
    %threefry2x323A_42 = arith.shrui %threefry2x323A_35, %threefry2x323A_41 : vector<512x1024xi32>
    %threefry2x323A_43 = arith.ori %threefry2x323A_39, %threefry2x323A_42 : vector<512x1024xi32>
    %threefry2x323A_44 = arith.xori %threefry2x323A_36, %threefry2x323A_43 : vector<512x1024xi32>
    %threefry2x323A_45 = arith.addi %threefry2x323A_36, %threefry2x323A_44 : vector<512x1024xi32>
    %threefry2x323A_46 = arith.constant 6 : i32
    %threefry2x323A_47 = vector.broadcast %threefry2x323A_46 : i32 to vector<512x1024xi32>
    %threefry2x323A_48 = arith.shli %threefry2x323A_44, %threefry2x323A_47 : vector<512x1024xi32>
    %threefry2x323A_49 = arith.constant 26 : i32
    %threefry2x323A_50 = vector.broadcast %threefry2x323A_49 : i32 to vector<512x1024xi32>
    %threefry2x323A_51 = arith.shrui %threefry2x323A_44, %threefry2x323A_50 : vector<512x1024xi32>
    %threefry2x323A_52 = arith.ori %threefry2x323A_48, %threefry2x323A_51 : vector<512x1024xi32>
    %threefry2x323A_53 = arith.xori %threefry2x323A_45, %threefry2x323A_52 : vector<512x1024xi32>
    %threefry2x323A_54 = vector.broadcast %threefry2x323A_10 : i32 to vector<512x1024xi32>
    %threefry2x323A_55 = arith.addi %threefry2x323A_45, %threefry2x323A_54 : vector<512x1024xi32>
    %threefry2x323A_56 = vector.broadcast %threefry2x323A_13 : i32 to vector<512x1024xi32>
    %threefry2x323A_57 = arith.addi %threefry2x323A_53, %threefry2x323A_56 : vector<512x1024xi32>
    %threefry2x323A_58 = arith.constant 1 : i32
    %threefry2x323A_59 = vector.broadcast %threefry2x323A_58 : i32 to vector<512x1024xi32>
    %threefry2x323A_60 = arith.addi %threefry2x323A_57, %threefry2x323A_59 : vector<512x1024xi32>
    %threefry2x323A_61 = arith.addi %threefry2x323A_55, %threefry2x323A_60 : vector<512x1024xi32>
    %threefry2x323A_62 = arith.constant 17 : i32
    %threefry2x323A_63 = vector.broadcast %threefry2x323A_62 : i32 to vector<512x1024xi32>
    %threefry2x323A_64 = arith.shli %threefry2x323A_60, %threefry2x323A_63 : vector<512x1024xi32>
    %threefry2x323A_65 = arith.constant 15 : i32
    %threefry2x323A_66 = vector.broadcast %threefry2x323A_65 : i32 to vector<512x1024xi32>
    %threefry2x323A_67 = arith.shrui %threefry2x323A_60, %threefry2x323A_66 : vector<512x1024xi32>
    %threefry2x323A_68 = arith.ori %threefry2x323A_64, %threefry2x323A_67 : vector<512x1024xi32>
    %threefry2x323A_69 = arith.xori %threefry2x323A_61, %threefry2x323A_68 : vector<512x1024xi32>
    %threefry2x323A_70 = arith.addi %threefry2x323A_61, %threefry2x323A_69 : vector<512x1024xi32>
    %threefry2x323A_71 = arith.constant 29 : i32
    %threefry2x323A_72 = vector.broadcast %threefry2x323A_71 : i32 to vector<512x1024xi32>
    %threefry2x323A_73 = arith.shli %threefry2x323A_69, %threefry2x323A_72 : vector<512x1024xi32>
    %threefry2x323A_74 = arith.constant 3 : i32
    %threefry2x323A_75 = vector.broadcast %threefry2x323A_74 : i32 to vector<512x1024xi32>
    %threefry2x323A_76 = arith.shrui %threefry2x323A_69, %threefry2x323A_75 : vector<512x1024xi32>
    %threefry2x323A_77 = arith.ori %threefry2x323A_73, %threefry2x323A_76 : vector<512x1024xi32>
    %threefry2x323A_78 = arith.xori %threefry2x323A_70, %threefry2x323A_77 : vector<512x1024xi32>
    %threefry2x323A_79 = arith.addi %threefry2x323A_70, %threefry2x323A_78 : vector<512x1024xi32>
    %threefry2x323A_80 = arith.constant 16 : i32
    %threefry2x323A_81 = vector.broadcast %threefry2x323A_80 : i32 to vector<512x1024xi32>
    %threefry2x323A_82 = arith.shli %threefry2x323A_78, %threefry2x323A_81 : vector<512x1024xi32>
    %threefry2x323A_83 = arith.constant 16 : i32
    %threefry2x323A_84 = vector.broadcast %threefry2x323A_83 : i32 to vector<512x1024xi32>
    %threefry2x323A_85 = arith.shrui %threefry2x323A_78, %threefry2x323A_84 : vector<512x1024xi32>
    %threefry2x323A_86 = arith.ori %threefry2x323A_82, %threefry2x323A_85 : vector<512x1024xi32>
    %threefry2x323A_87 = arith.xori %threefry2x323A_79, %threefry2x323A_86 : vector<512x1024xi32>
    %threefry2x323A_88 = arith.addi %threefry2x323A_79, %threefry2x323A_87 : vector<512x1024xi32>
    %threefry2x323A_89 = arith.constant 24 : i32
    %threefry2x323A_90 = vector.broadcast %threefry2x323A_89 : i32 to vector<512x1024xi32>
    %threefry2x323A_91 = arith.shli %threefry2x323A_87, %threefry2x323A_90 : vector<512x1024xi32>
    %threefry2x323A_92 = arith.constant 8 : i32
    %threefry2x323A_93 = vector.broadcast %threefry2x323A_92 : i32 to vector<512x1024xi32>
    %threefry2x323A_94 = arith.shrui %threefry2x323A_87, %threefry2x323A_93 : vector<512x1024xi32>
    %threefry2x323A_95 = arith.ori %threefry2x323A_91, %threefry2x323A_94 : vector<512x1024xi32>
    %threefry2x323A_96 = arith.xori %threefry2x323A_88, %threefry2x323A_95 : vector<512x1024xi32>
    %threefry2x323A_97 = vector.broadcast %threefry2x323A_13 : i32 to vector<512x1024xi32>
    %threefry2x323A_98 = arith.addi %threefry2x323A_88, %threefry2x323A_97 : vector<512x1024xi32>
    %threefry2x323A_99 = vector.broadcast %threefry2x323A : i32 to vector<512x1024xi32>
    %threefry2x323A_100 = arith.addi %threefry2x323A_96, %threefry2x323A_99 : vector<512x1024xi32>
    %threefry2x323A_101 = arith.constant 2 : i32
    %threefry2x323A_102 = vector.broadcast %threefry2x323A_101 : i32 to vector<512x1024xi32>
    %threefry2x323A_103 = arith.addi %threefry2x323A_100, %threefry2x323A_102 : vector<512x1024xi32>
    %threefry2x323A_104 = arith.addi %threefry2x323A_98, %threefry2x323A_103 : vector<512x1024xi32>
    %threefry2x323A_105 = arith.constant 13 : i32
    %threefry2x323A_106 = vector.broadcast %threefry2x323A_105 : i32 to vector<512x1024xi32>
    %threefry2x323A_107 = arith.shli %threefry2x323A_103, %threefry2x323A_106 : vector<512x1024xi32>
    %threefry2x323A_108 = arith.constant 19 : i32
    %threefry2x323A_109 = vector.broadcast %threefry2x323A_108 : i32 to vector<512x1024xi32>
    %threefry2x323A_110 = arith.shrui %threefry2x323A_103, %threefry2x323A_109 : vector<512x1024xi32>
    %threefry2x323A_111 = arith.ori %threefry2x323A_107, %threefry2x323A_110 : vector<512x1024xi32>
    %threefry2x323A_112 = arith.xori %threefry2x323A_104, %threefry2x323A_111 : vector<512x1024xi32>
    %threefry2x323A_113 = arith.addi %threefry2x323A_104, %threefry2x323A_112 : vector<512x1024xi32>
    %threefry2x323A_114 = arith.constant 15 : i32
    %threefry2x323A_115 = vector.broadcast %threefry2x323A_114 : i32 to vector<512x1024xi32>
    %threefry2x323A_116 = arith.shli %threefry2x323A_112, %threefry2x323A_115 : vector<512x1024xi32>
    %threefry2x323A_117 = arith.constant 17 : i32
    %threefry2x323A_118 = vector.broadcast %threefry2x323A_117 : i32 to vector<512x1024xi32>
    %threefry2x323A_119 = arith.shrui %threefry2x323A_112, %threefry2x323A_118 : vector<512x1024xi32>
    %threefry2x323A_120 = arith.ori %threefry2x323A_116, %threefry2x323A_119 : vector<512x1024xi32>
    %threefry2x323A_121 = arith.xori %threefry2x323A_113, %threefry2x323A_120 : vector<512x1024xi32>
    %threefry2x323A_122 = arith.addi %threefry2x323A_113, %threefry2x323A_121 : vector<512x1024xi32>
    %threefry2x323A_123 = arith.constant 26 : i32
    %threefry2x323A_124 = vector.broadcast %threefry2x323A_123 : i32 to vector<512x1024xi32>
    %threefry2x323A_125 = arith.shli %threefry2x323A_121, %threefry2x323A_124 : vector<512x1024xi32>
    %threefry2x323A_126 = arith.constant 6 : i32
    %threefry2x323A_127 = vector.broadcast %threefry2x323A_126 : i32 to vector<512x1024xi32>
    %threefry2x323A_128 = arith.shrui %threefry2x323A_121, %threefry2x323A_127 : vector<512x1024xi32>
    %threefry2x323A_129 = arith.ori %threefry2x323A_125, %threefry2x323A_128 : vector<512x1024xi32>
    %threefry2x323A_130 = arith.xori %threefry2x323A_122, %threefry2x323A_129 : vector<512x1024xi32>
    %threefry2x323A_131 = arith.addi %threefry2x323A_122, %threefry2x323A_130 : vector<512x1024xi32>
    %threefry2x323A_132 = arith.constant 6 : i32
    %threefry2x323A_133 = vector.broadcast %threefry2x323A_132 : i32 to vector<512x1024xi32>
    %threefry2x323A_134 = arith.shli %threefry2x323A_130, %threefry2x323A_133 : vector<512x1024xi32>
    %threefry2x323A_135 = arith.constant 26 : i32
    %threefry2x323A_136 = vector.broadcast %threefry2x323A_135 : i32 to vector<512x1024xi32>
    %threefry2x323A_137 = arith.shrui %threefry2x323A_130, %threefry2x323A_136 : vector<512x1024xi32>
    %threefry2x323A_138 = arith.ori %threefry2x323A_134, %threefry2x323A_137 : vector<512x1024xi32>
    %threefry2x323A_139 = arith.xori %threefry2x323A_131, %threefry2x323A_138 : vector<512x1024xi32>
    %threefry2x323A_140 = vector.broadcast %threefry2x323A : i32 to vector<512x1024xi32>
    %threefry2x323A_141 = arith.addi %threefry2x323A_131, %threefry2x323A_140 : vector<512x1024xi32>
    %threefry2x323A_142 = vector.broadcast %threefry2x323A_10 : i32 to vector<512x1024xi32>
    %threefry2x323A_143 = arith.addi %threefry2x323A_139, %threefry2x323A_142 : vector<512x1024xi32>
    %threefry2x323A_144 = arith.constant 3 : i32
    %threefry2x323A_145 = vector.broadcast %threefry2x323A_144 : i32 to vector<512x1024xi32>
    %threefry2x323A_146 = arith.addi %threefry2x323A_143, %threefry2x323A_145 : vector<512x1024xi32>
    %threefry2x323A_147 = arith.addi %threefry2x323A_141, %threefry2x323A_146 : vector<512x1024xi32>
    %threefry2x323A_148 = arith.constant 17 : i32
    %threefry2x323A_149 = vector.broadcast %threefry2x323A_148 : i32 to vector<512x1024xi32>
    %threefry2x323A_150 = arith.shli %threefry2x323A_146, %threefry2x323A_149 : vector<512x1024xi32>
    %threefry2x323A_151 = arith.constant 15 : i32
    %threefry2x323A_152 = vector.broadcast %threefry2x323A_151 : i32 to vector<512x1024xi32>
    %threefry2x323A_153 = arith.shrui %threefry2x323A_146, %threefry2x323A_152 : vector<512x1024xi32>
    %threefry2x323A_154 = arith.ori %threefry2x323A_150, %threefry2x323A_153 : vector<512x1024xi32>
    %threefry2x323A_155 = arith.xori %threefry2x323A_147, %threefry2x323A_154 : vector<512x1024xi32>
    %threefry2x323A_156 = arith.addi %threefry2x323A_147, %threefry2x323A_155 : vector<512x1024xi32>
    %threefry2x323A_157 = arith.constant 29 : i32
    %threefry2x323A_158 = vector.broadcast %threefry2x323A_157 : i32 to vector<512x1024xi32>
    %threefry2x323A_159 = arith.shli %threefry2x323A_155, %threefry2x323A_158 : vector<512x1024xi32>
    %threefry2x323A_160 = arith.constant 3 : i32
    %threefry2x323A_161 = vector.broadcast %threefry2x323A_160 : i32 to vector<512x1024xi32>
    %threefry2x323A_162 = arith.shrui %threefry2x323A_155, %threefry2x323A_161 : vector<512x1024xi32>
    %threefry2x323A_163 = arith.ori %threefry2x323A_159, %threefry2x323A_162 : vector<512x1024xi32>
    %threefry2x323A_164 = arith.xori %threefry2x323A_156, %threefry2x323A_163 : vector<512x1024xi32>
    %threefry2x323A_165 = arith.addi %threefry2x323A_156, %threefry2x323A_164 : vector<512x1024xi32>
    %threefry2x323A_166 = arith.constant 16 : i32
    %threefry2x323A_167 = vector.broadcast %threefry2x323A_166 : i32 to vector<512x1024xi32>
    %threefry2x323A_168 = arith.shli %threefry2x323A_164, %threefry2x323A_167 : vector<512x1024xi32>
    %threefry2x323A_169 = arith.constant 16 : i32
    %threefry2x323A_170 = vector.broadcast %threefry2x323A_169 : i32 to vector<512x1024xi32>
    %threefry2x323A_171 = arith.shrui %threefry2x323A_164, %threefry2x323A_170 : vector<512x1024xi32>
    %threefry2x323A_172 = arith.ori %threefry2x323A_168, %threefry2x323A_171 : vector<512x1024xi32>
    %threefry2x323A_173 = arith.xori %threefry2x323A_165, %threefry2x323A_172 : vector<512x1024xi32>
    %threefry2x323A_174 = arith.addi %threefry2x323A_165, %threefry2x323A_173 : vector<512x1024xi32>
    %threefry2x323A_175 = arith.constant 24 : i32
    %threefry2x323A_176 = vector.broadcast %threefry2x323A_175 : i32 to vector<512x1024xi32>
    %threefry2x323A_177 = arith.shli %threefry2x323A_173, %threefry2x323A_176 : vector<512x1024xi32>
    %threefry2x323A_178 = arith.constant 8 : i32
    %threefry2x323A_179 = vector.broadcast %threefry2x323A_178 : i32 to vector<512x1024xi32>
    %threefry2x323A_180 = arith.shrui %threefry2x323A_173, %threefry2x323A_179 : vector<512x1024xi32>
    %threefry2x323A_181 = arith.ori %threefry2x323A_177, %threefry2x323A_180 : vector<512x1024xi32>
    %threefry2x323A_182 = arith.xori %threefry2x323A_174, %threefry2x323A_181 : vector<512x1024xi32>
    %threefry2x323A_183 = vector.broadcast %threefry2x323A_10 : i32 to vector<512x1024xi32>
    %threefry2x323A_184 = arith.addi %threefry2x323A_174, %threefry2x323A_183 : vector<512x1024xi32>
    %threefry2x323A_185 = vector.broadcast %threefry2x323A_13 : i32 to vector<512x1024xi32>
    %threefry2x323A_186 = arith.addi %threefry2x323A_182, %threefry2x323A_185 : vector<512x1024xi32>
    %threefry2x323A_187 = arith.constant 4 : i32
    %threefry2x323A_188 = vector.broadcast %threefry2x323A_187 : i32 to vector<512x1024xi32>
    %threefry2x323A_189 = arith.addi %threefry2x323A_186, %threefry2x323A_188 : vector<512x1024xi32>
    %threefry2x323A_190 = arith.addi %threefry2x323A_184, %threefry2x323A_189 : vector<512x1024xi32>
    %threefry2x323A_191 = arith.constant 13 : i32
    %threefry2x323A_192 = vector.broadcast %threefry2x323A_191 : i32 to vector<512x1024xi32>
    %threefry2x323A_193 = arith.shli %threefry2x323A_189, %threefry2x323A_192 : vector<512x1024xi32>
    %threefry2x323A_194 = arith.constant 19 : i32
    %threefry2x323A_195 = vector.broadcast %threefry2x323A_194 : i32 to vector<512x1024xi32>
    %threefry2x323A_196 = arith.shrui %threefry2x323A_189, %threefry2x323A_195 : vector<512x1024xi32>
    %threefry2x323A_197 = arith.ori %threefry2x323A_193, %threefry2x323A_196 : vector<512x1024xi32>
    %threefry2x323A_198 = arith.xori %threefry2x323A_190, %threefry2x323A_197 : vector<512x1024xi32>
    %threefry2x323A_199 = arith.addi %threefry2x323A_190, %threefry2x323A_198 : vector<512x1024xi32>
    %threefry2x323A_200 = arith.constant 15 : i32
    %threefry2x323A_201 = vector.broadcast %threefry2x323A_200 : i32 to vector<512x1024xi32>
    %threefry2x323A_202 = arith.shli %threefry2x323A_198, %threefry2x323A_201 : vector<512x1024xi32>
    %threefry2x323A_203 = arith.constant 17 : i32
    %threefry2x323A_204 = vector.broadcast %threefry2x323A_203 : i32 to vector<512x1024xi32>
    %threefry2x323A_205 = arith.shrui %threefry2x323A_198, %threefry2x323A_204 : vector<512x1024xi32>
    %threefry2x323A_206 = arith.ori %threefry2x323A_202, %threefry2x323A_205 : vector<512x1024xi32>
    %threefry2x323A_207 = arith.xori %threefry2x323A_199, %threefry2x323A_206 : vector<512x1024xi32>
    %threefry2x323A_208 = arith.addi %threefry2x323A_199, %threefry2x323A_207 : vector<512x1024xi32>
    %threefry2x323A_209 = arith.constant 26 : i32
    %threefry2x323A_210 = vector.broadcast %threefry2x323A_209 : i32 to vector<512x1024xi32>
    %threefry2x323A_211 = arith.shli %threefry2x323A_207, %threefry2x323A_210 : vector<512x1024xi32>
    %threefry2x323A_212 = arith.constant 6 : i32
    %threefry2x323A_213 = vector.broadcast %threefry2x323A_212 : i32 to vector<512x1024xi32>
    %threefry2x323A_214 = arith.shrui %threefry2x323A_207, %threefry2x323A_213 : vector<512x1024xi32>
    %threefry2x323A_215 = arith.ori %threefry2x323A_211, %threefry2x323A_214 : vector<512x1024xi32>
    %threefry2x323A_216 = arith.xori %threefry2x323A_208, %threefry2x323A_215 : vector<512x1024xi32>
    %threefry2x323A_217 = arith.addi %threefry2x323A_208, %threefry2x323A_216 : vector<512x1024xi32>
    %threefry2x323A_218 = arith.constant 6 : i32
    %threefry2x323A_219 = vector.broadcast %threefry2x323A_218 : i32 to vector<512x1024xi32>
    %threefry2x323A_220 = arith.shli %threefry2x323A_216, %threefry2x323A_219 : vector<512x1024xi32>
    %threefry2x323A_221 = arith.constant 26 : i32
    %threefry2x323A_222 = vector.broadcast %threefry2x323A_221 : i32 to vector<512x1024xi32>
    %threefry2x323A_223 = arith.shrui %threefry2x323A_216, %threefry2x323A_222 : vector<512x1024xi32>
    %threefry2x323A_224 = arith.ori %threefry2x323A_220, %threefry2x323A_223 : vector<512x1024xi32>
    %threefry2x323A_225 = arith.xori %threefry2x323A_217, %threefry2x323A_224 : vector<512x1024xi32>
    %threefry2x323A_226 = vector.broadcast %threefry2x323A_13 : i32 to vector<512x1024xi32>
    %threefry2x323A_227 = arith.addi %threefry2x323A_217, %threefry2x323A_226 : vector<512x1024xi32>
    %threefry2x323A_228 = vector.broadcast %threefry2x323A : i32 to vector<512x1024xi32>
    %threefry2x323A_229 = arith.addi %threefry2x323A_225, %threefry2x323A_228 : vector<512x1024xi32>
    %threefry2x323A_230 = arith.constant 5 : i32
    %threefry2x323A_231 = vector.broadcast %threefry2x323A_230 : i32 to vector<512x1024xi32>
    %threefry2x323A_232 = arith.addi %threefry2x323A_229, %threefry2x323A_231 : vector<512x1024xi32>
    "tpu.trace_stop"() : () -> ()
    %xor3A = arith.xori %threefry2x323A_227, %threefry2x323A_232 : vector<512x1024xi32>
    %shift_right_logical3A = arith.constant 9 : i32
    %shift_right_logical3A_233 = vector.broadcast %shift_right_logical3A : i32 to vector<512x1024xi32>
    %shift_right_logical3A_234 = arith.shrui %xor3A, %shift_right_logical3A_233 : vector<512x1024xi32>
    %or3A = arith.constant 1065353216 : i32
    %or3A_235 = vector.broadcast %or3A : i32 to vector<512x1024xi32>
    %or3A_236 = arith.ori %shift_right_logical3A_234, %or3A_235 : vector<512x1024xi32>
    %bitcast_convert_type3A = tpu.bitcast %or3A_236 : vector<512x1024xi32> -> vector<512x1024xf32>
    %sub3A = arith.constant 1.000000e+00 : f32
    %sub3A_237 = vector.broadcast %sub3A : f32 to vector<512x1024xf32>
    %sub3A_238 = arith.subf %bitcast_convert_type3A, %sub3A_237 : vector<512x1024xf32>
    %mul3A_239 = arith.constant 2.000000e+00 : f32
    %mul3A_240 = vector.broadcast %mul3A_239 : f32 to vector<512x1024xf32>
    %mul3A_241 = arith.mulf %sub3A_238, %mul3A_240 : vector<512x1024xf32>
    %add3A_242 = arith.constant -0.99999994 : f32
    %add3A_243 = vector.broadcast %add3A_242 : f32 to vector<512x1024xf32>
    %add3A_244 = arith.addf %mul3A_241, %add3A_243 : vector<512x1024xf32>
    %max3A = arith.constant -0.99999994 : f32
    %max3A_245 = vector.broadcast %max3A : f32 to vector<512x1024xf32>
    %max3A_246 = arith.maximumf %max3A_245, %add3A_244 : vector<512x1024xf32>
    %mul3A_247 = arith.mulf %max3A_246, %max3A_246 : vector<512x1024xf32>
    %sub3A_248 = arith.constant 1.000000e+00 : f32
    %sub3A_249 = vector.broadcast %sub3A_248 : f32 to vector<512x1024xf32>
    %sub3A_250 = arith.subf %sub3A_249, %mul3A_247 : vector<512x1024xf32>
    %log3A = math.log %sub3A_250 : vector<512x1024xf32>
    %neg3A = arith.constant 0.000000e+00 : f32
    %neg3A_251 = vector.broadcast %neg3A : f32 to vector<512x1024xf32>
    %neg3A_252 = arith.subf %neg3A_251, %log3A : vector<512x1024xf32>
    %sqrt3A = math.sqrt %neg3A_252 : vector<512x1024xf32>
    %broadcast_in_dim3A_253 = arith.constant 0.00361118931 : f32
    %broadcast_in_dim3A_254 = vector.broadcast %broadcast_in_dim3A_253 : f32 to vector<512x1024xf32>
    %mul3A_255 = arith.mulf %broadcast_in_dim3A_254, %sqrt3A : vector<512x1024xf32>
    %add3A_256 = arith.constant -0.026957497 : f32
    %add3A_257 = vector.broadcast %add3A_256 : f32 to vector<512x1024xf32>
    %add3A_258 = arith.addf %mul3A_255, %add3A_257 : vector<512x1024xf32>
    %mul3A_259 = arith.mulf %add3A_258, %sqrt3A : vector<512x1024xf32>
    %add3A_260 = arith.constant 0.0503622554 : f32
    %add3A_261 = vector.broadcast %add3A_260 : f32 to vector<512x1024xf32>
    %add3A_262 = arith.addf %mul3A_259, %add3A_261 : vector<512x1024xf32>
    %mul3A_263 = arith.mulf %add3A_262, %sqrt3A : vector<512x1024xf32>
    %add3A_264 = arith.constant -0.0128880236 : f32
    %add3A_265 = vector.broadcast %add3A_264 : f32 to vector<512x1024xf32>
    %add3A_266 = arith.addf %mul3A_263, %add3A_265 : vector<512x1024xf32>
    %mul3A_267 = arith.mulf %add3A_266, %sqrt3A : vector<512x1024xf32>
    %add3A_268 = arith.constant 0.325018018 : f32
    %add3A_269 = vector.broadcast %add3A_268 : f32 to vector<512x1024xf32>
    %add3A_270 = arith.addf %mul3A_267, %add3A_269 : vector<512x1024xf32>
    %mul3A_271 = arith.mulf %add3A_270, %sqrt3A : vector<512x1024xf32>
    %add3A_272 = arith.constant 0.00217995513 : f32
    %add3A_273 = vector.broadcast %add3A_272 : f32 to vector<512x1024xf32>
    %add3A_274 = arith.addf %mul3A_271, %add3A_273 : vector<512x1024xf32>
    %mul3A_275 = arith.mulf %add3A_274, %sqrt3A : vector<512x1024xf32>
    %add3A_276 = arith.constant 1.25314939 : f32
    %add3A_277 = vector.broadcast %add3A_276 : f32 to vector<512x1024xf32>
    %add3A_278 = arith.addf %mul3A_275, %add3A_277 : vector<512x1024xf32>
    %mul3A_279 = arith.mulf %max3A_246, %add3A_278 : vector<512x1024xf32>
    %mul3A_280 = arith.constant 1.000000e-01 : f32
    %mul3A_281 = vector.broadcast %mul3A_280 : f32 to vector<512x1024xf32>
    %mul3A_282 = arith.mulf %mul3A_279, %mul3A_281 : vector<512x1024xf32>
    %get3A = arith.constant 0 : index
    %get3A_283 = arith.constant 0 : index
    %get3A_284 = vector.load %arg2[%get3A, %get3A_283] : memref<512x1024xf32, #tpu.memory_space<vmem>>, vector<512x1024xf32>
    %convert_element_type3A = arith.truncf %get3A_284 : vector<512x1024xf32> to vector<512x1024xbf16>
    %get3A_285 = arith.constant 0 : index
    %get3A_286 = arith.constant 0 : index
    %get3A_287 = vector.load %arg3[%get3A_285, %get3A_286] : memref<1024x1024xf32, #tpu.memory_space<vmem>>, vector<1024x1024xf32>
    %convert_element_type3A_288 = arith.truncf %get3A_287 : vector<1024x1024xf32> to vector<1024x1024xbf16>
    %dot_general3A = arith.constant dense<0.000000e+00> : vector<512x1024xf32>
    %dot_general3A_289 = tpu.matmul %convert_element_type3A, %convert_element_type3A_288, %dot_general3A {dimension_numbers = #tpu.dot_dimension_numbers<[1], [1], [0], [0], [0, 0, 1, 0], [], []>, transpose_lhs_hint = false} : vector<512x1024xbf16>, vector<1024x1024xbf16>, vector<512x1024xf32> -> vector<512x1024xf32>
    %get3A_290 = arith.constant 0 : index
    %get3A_291 = arith.constant 0 : index
    %get3A_292 = vector.load %arg4[%get3A_290, %get3A_291] : memref<1x1024xf32, #tpu.memory_space<vmem>>, vector<1x1024xf32>
    %add3A_293 = vector.broadcast %get3A_292 : vector<1x1024xf32> to vector<512x1024xf32>
    %add3A_294 = arith.addf %dot_general3A_289, %add3A_293 : vector<512x1024xf32>
    %add3A_295 = arith.addf %add3A_294, %mul3A_282 : vector<512x1024xf32>
    %swap3A = arith.constant 0 : index
    %swap3A_296 = arith.constant 0 : index
    %swap3A_297 = vector.load %arg5[%swap3A, %swap3A_296] : memref<512x1024xf32, #tpu.memory_space<vmem>>, vector<512x1024xf32>
    tpu.vector_store %arg5[%swap3A, %swap3A_296], %add3A_295 {strides = array<i32>} : memref<512x1024xf32, #tpu.memory_space<vmem>>, vector<512x1024xf32>,
    return
  }
  func.func @transform_1(%arg0: i32) -> (i32, i32) {
    %c0_i32 = arith.constant 0 : i32
    %c0_i32_0 = arith.constant 0 : i32
    return %arg0, %c0_i32 : i32, i32
  }
  func.func @transform_2(%arg0: i32) -> (i32, i32) {
    %c0_i32 = arith.constant 0 : i32
    %c0_i32_0 = arith.constant 0 : i32
    %c0_i32_1 = arith.constant 0 : i32
    return %c0_i32, %c0_i32_0 : i32, i32
  }
  func.func @transform_3(%arg0: i32) -> (i32, i32) {
    %c0_i32 = arith.constant 0 : i32
    %c0_i32_0 = arith.constant 0 : i32
    %c0_i32_1 = arith.constant 0 : i32
    return %c0_i32, %c0_i32_0 : i32, i32
  }
  func.func @transform_4(%arg0: i32) -> (i32, i32) {
    %add3A = arith.constant 8 : i32
    %add3A_0 = arith.addi %arg0, %add3A : i32
    %c0_i32 = arith.constant 0 : i32
    %c0_i32_1 = arith.constant 0 : i32
    return %add3A_0, %c0_i32 : i32, i32
  }
}

</mosaic_0001>

<sc_bundles>
// kernel: kernel.6.cloned.1.call-start
scs
__scs_entry_jumppad:
0x0: {  	(pc) =	sbr.rel $0x88, $3  }
0x1: {  	(tag) =	ssettag $0x0;
	lr =	simm.s32 $0x1  }
0x2: {  	[smem:$0x3F9D] =	sst lr;
	_ =	strace $0xD0000000  }
0x3: {  	_ = 	snop  }
0x4: {  	_ = 	snop  }
0x5: {  	_ = 	snop  }
0x6: {  	_ = 	snop  }
0x7: {  	_ = 	snop  }
__scs_overlays_trampoline_lowered:
0x8: {  	[smem:$0x3FAC] =	sst s0  }
0x9: {  	[smem:$0x3FAD] =	sst s1  }
0xa: {  	[smem:$0x3FAE] =	sst s2  }
0xb: {  	[smem:$0x3FAF] =	sst s3  }
0xc: {  	[smem:$0x3FB0] =	sst s4  }
0xd: {  	[smem:$0x3FB1] =	sst s5  }
0xe: {  	[smem:$0x3FB2] =	sst s6  }
0xf: {  	[smem:$0x3FB3] =	sst s7  }
0x10: {  	[smem:$0x3FB4] =	sst s8  }
0x11: {  	[smem:$0x3FB5] =	sst s9;
	s0 =	simm.s32 @!p0 $0x0  }
0x12: {  	s1 =	sld [smem:$0x3F9B];
	s0 =	simm.s32 @p0 $0x1  }
0x13: {  	[smem:$0x3FB6] =	sst s0;
	s0 =	simm.s32 @!p1 $0x0  }
0x14: {  	s2 =	sld [smem:$0x3F9A];
	s0 =	simm.s32 @p1 $0x1  }
0x15: {  	[smem:$0x3FB7] =	sst s0;
	s0 =	simm.s32 @!p2 $0x0  }
0x16: {  	s3 =	sld [smem:$0x3FDB];
	s0 =	simm.s32 @p2 $0x1  }
0x17: {  	s4 =	simm.s32 $0x1BF5;
	[smem:$0x3FB9] =	sst s0  }
0x18: {  	s0 =	sld [smem:$0x3F9C];
	_ =	swait.ge [sflag:s4], $0x0  }
0x19: {  	s7 =	sld [smem:$0x3F9D]  }
0x1a: {  	s8 =	sadd.s32 $0xFFFFE003, lr  }
0x1b: {  	s9 =	sadd.s32 $0xFFFFFEF7, lr;
	s5 =	simm.s32 $0xFFFFFFFF;
	p2 =	slt.u32 s8, $0xFFFFF086  }
0x1c: {  	p1 =	slt.u32 s9, $0xF7A;
	s5 =	simm.s32 @!p2 $0x0  }
0x1d: {  	s5 =	simm.s32 @p1 $0x1;
	p0 =	seq.s32 s7, s2  }
0x1e: {  	s7 =	smul.u32 @!p0 $0xF7A, s2;
	p2 =	seq.s32 @!p0 s5, $0x0  }
0x1f: {  	s9 =	smul.u32 $0xF7A, s1;
	s8 =	simm.s32 @!p0 $0x1BF5;
	p2 =	por !p2, p0  }
0x20: {  	[sflag:s8] =	ssyncset.s32 @!p0 $0xFFFFF086;
	s6 =	sadd.s32 @!p0 s3, s7;
	s7 =	simm.s32 @!p0 $0x108  }
0x21: {  	s3 =	sadd.s32 s3, s9;
	s6 =	sadd.s32 @!p0 $0x88, s6;
	s7 =	simm.s32 @p2 $0x1082  }
0x22: {  	[simem:s7], [sflag:s8] =	dma.local @!p0 [hbm:s6], $0xF7A  }
0x23: {  	s9 =	sor.u32 $0xD0000000, s2;
	s6 =	simm.s32 $0x108;
	_ =	swait.ge @!p0 [sflag:s8], $0x0  }
0x24: {  	s3 =	sadd.s32 $0x88, s3;
	s6 =	simm.s32 @!p1 $0x1082;
	[sflag:s4] =	ssyncset.s32 $0xFFFFF086  }
0x25: {  	[simem:s6], [sflag:s4] =	dma.local [hbm:s3], $0xF7A  }
0x26: {  	[smem:$0x3F9D] =	sst s1;
	(tag) =	ssettag s2;
	_ =	strace s9  }
0x27: {  	s1 =	sld [smem:$0x3FAD]  }
0x28: {  	s2 =	sld [smem:$0x3FAE]  }
0x29: {  	s4 =	sld [smem:$0x3FB0]  }
0x2a: {  	p0 =	seq.s32 s5, $0x0;
	s5 =	sld [smem:$0x3FB1]  }
0x2b: {  	s6 =	sld [smem:$0x3FB2]  }
0x2c: {  	s7 =	sld [smem:$0x3FB3]  }
0x2d: {  	s3 =	simm.s32 $0x108;
	s8 =	sld [smem:$0x3FB4]  }
0x2e: {  	s3 =	simm.s32 @!p0 $0x1082;
	s9 =	sld [smem:$0x3FB5]  }
0x2f: {  	lr =	sadd.s32 s0, s3;
	s0 =	sld [smem:$0x3FAC]  }
0x30: {  	s3 =	sld [smem:$0x3FAF]  }
0x31: {  	[smem:$0x3FB8] =	sst s10  }
0x32: {  	s10 =	sld [smem:$0x3FB6];
	_ =	sdelay $0x3  }
0x33: {  	p0 =	seq.s32 s10, $0x1;
	s10 =	sld [smem:$0x3FB8];
	_ =	sdelay $0x3  }
0x34: {  	[smem:$0x3FB8] =	sst s10  }
0x35: {  	s10 =	sld [smem:$0x3FB7];
	_ =	sdelay $0x3  }
0x36: {  	p1 =	seq.s32 s10, $0x1;
	s10 =	sld [smem:$0x3FB8];
	_ =	sdelay $0x3  }
0x37: {  	[smem:$0x3FB8] =	sst s10  }
0x38: {  	s10 =	sld [smem:$0x3FB9]  }
0x39: {  	_ = 	snop;
	(pc) =	sbr.ind lr, $3  }
0x3a: {  	_ = 	snop  }
0x3b: {  	_ = 	snop  }
0x3c: {  	p2 =	seq.s32 s10, $0x1;
	s10 =	sld [smem:$0x3FB8]  }
0x3d: {  	_ =	shalt  }
0x3e: {  	_ =	shalt  }
0x3f: {  	_ =	shalt  }
0x40: {  	_ =	shalt  }
0x41: {  	_ =	shalt  }
0x42: {  	_ =	shalt  }
0x43: {  	_ =	shalt  }
0x44: {  	_ =	shalt  }
0x45: {  	_ =	shalt  }
0x46: {  	_ =	shalt  }
0x47: {  	_ =	shalt  }
0x48: {  	_ =	shalt  }
0x49: {  	_ =	shalt  }
0x4a: {  	_ =	shalt  }
0x4b: {  	_ =	shalt  }
0x4c: {  	_ =	shalt  }
0x4d: {  	_ =	shalt  }
0x4e: {  	_ =	shalt  }
0x4f: {  	_ =	shalt  }
0x50: {  	_ =	shalt  }
0x51: {  	_ =	shalt  }
0x52: {  	_ =	shalt  }
0x53: {  	_ =	shalt  }
0x54: {  	_ =	shalt  }
0x55: {  	_ =	shalt  }
0x56: {  	_ =	shalt  }
0x57: {  	_ =	shalt  }
0x58: {  	_ =	shalt  }
0x59: {  	_ =	shalt  }
0x5a: {  	_ =	shalt  }
0x5b: {  	_ =	shalt  }
0x5c: {  	_ =	shalt  }
0x5d: {  	_ =	shalt  }
0x5e: {  	_ =	shalt  }
0x5f: {  	_ =	shalt  }
0x60: {  	_ =	shalt  }
0x61: {  	_ =	shalt  }
0x62: {  	_ =	shalt  }
0x63: {  	_ =	shalt  }
0x64: {  	_ =	shalt  }
0x65: {  	_ =	shalt  }
0x66: {  	_ =	shalt  }
0x67: {  	_ =	shalt  }
0x68: {  	_ =	shalt  }
0x69: {  	_ =	shalt  }
0x6a: {  	_ =	shalt  }
0x6b: {  	_ =	shalt  }
0x6c: {  	_ =	shalt  }
0x6d: {  	_ =	shalt  }
0x6e: {  	_ =	shalt  }
0x6f: {  	_ =	shalt  }
0x70: {  	_ =	shalt  }
0x71: {  	_ =	shalt  }
0x72: {  	_ =	shalt  }
0x73: {  	_ =	shalt  }
0x74: {  	_ =	shalt  }
0x75: {  	_ =	shalt  }
0x76: {  	_ =	shalt  }
0x77: {  	_ =	shalt  }
0x78: {  	_ =	shalt  }
0x79: {  	_ =	shalt  }
0x7a: {  	_ =	shalt  }
0x7b: {  	_ =	shalt  }
0x7c: {  	_ =	shalt  }
0x7d: {  	_ =	shalt  }
0x7e: {  	_ =	shalt  }
0x7f: {  	_ =	shalt  }
0x80: {  	_ =	shalt  }
0x81: {  	_ =	shalt  }
0x82: {  	_ =	shalt  }
0x83: {  	_ =	shalt  }
0x84: {  	_ =	shalt  }
0x85: {  	_ =	shalt  }
0x86: {  	_ =	shalt  }
0x87: {  	_ =	shalt  }
.Lfunc_end0:
.L_simem_size_0:
called_computation_lowered:
.L_overlay_start_0:
0x88: {  	s2 =	sld [smem:$0x3FD9]  }
0x89: {  	s3 =	sld [smem:$0x3FFE];
	_ =	sdelay $0x1  }
0x8a: {  	s1 =	srdreg.scid  }
0x8b: {  	s0 =	sand.u32 $0x1, s1  }
0x8c: {  	s17 =	sshll.u32 s0, $0xA;
	s2 =	sadd.s32 s3, s2  }
0x8d: {  	s2 =	sadd.s32 s2, s17  }
0x8e: {  	[smem:$0x3FC4] =	sst s2  }
0x8f: {  	_ = 	snop  }
0x90: {  	s2 =	sld [smem:$0x3FC8]  }
0x91: {  	s18 =	sld [smem:$0x3FD0];
	(tm) =	ssettm $0x1  }
0x92: {  	s4 =	sld [smem:$0x3FFB];
	_ =	sdelay $0x3  }
0x93: {  	_ =	strace s4  }
0x94: {  	s4 =	sld [smem:$0x3FFC];
	_ =	sdelay $0x3  }
0x95: {  	_ =	strace s4  }
0x96: {  	s4 =	sld [smem:$0x3FFD];
	_ =	sdelay $0x3  }
0x97: {  	_ =	strace s4  }
0x98: {  	_ =	strace $0x8FFFFFFF  }
0x99: {  	s19 =	sld [smem:$0x3FDB];
	_ =	sdelay $0x1  }
0x9a: {  	s5 =	simm.s32 $_scs_section_size  }
0x9b: {  	s6 =	simm.s32 $_size__tile_overlayer_lowered;
	s7 =	simm.s32 $_tile_overlayer_lowered  }
0x9c: {  	s22 =	simm.s32 $0x1BFF;
	s21 =	sshll.u32 s7, $0x1;
	s4 =	sadd.s32 s5, s19  }
0x9d: {  	s8 =	simm.s32 $0x0;
	s20 =	sshll.u32 s6, $0x1;
	s6 =	sadd.s32 s21, s4  }
0x9e: {  	[timem:s8], [sflag:s22] =	dma.local [hbm:s6], s20  }
0x9f: {  	_ =	swait.ge [sflag:s22], s20  }
0xa0: {  	s5 =	ssub.s32 $0x0, s20;
	[sflag:s22] =	ssyncset.done $0x0  }
0xa1: {  	[sflag:s22] =	ssyncadd.s32 s5;
	_ =	sdelay $0x1  }
0xa2: {  	s23 =	simm.s32 $0x1B8B  }
0xa3: {  	_ =	swait.ge [sflag:s23], $0x1  }
0xa4: {  	[sflag:s23] =	ssyncset.done $0x0  }
0xa5: {  	s25 =	simm.s32 $0x1B8E;
	s24 =	sld [smem:$0x3FFE];
	[sflag:s23] =	ssyncadd.s32 $0xFFFFFFFF  }
0xa6: {  	s26 =	simm.s32 $execute0_lowered;
	[smem:$0x3FD2] =	sst s25  }
0xa7: {  	s6 =	sshll.u32 s26, $0x1;
	_ =	strace $0x80000046;
	[dreg:$0x1] =	wrdreg $0xFFFFFFFF  }
0xa8: {  	s28 =	simm.s32 $_size_execute0_lowered;
	s4 =	sadd.s32 s4, s6;
	[dreg:$0x0] =	wrdreg $0x0  }
0xa9: {  	s6 =	sshll.u32 s28, $0x1;
	[dreg:$0x2] =	wrdreg s4  }
0xaa: {  	[dreg:$0x3] =	wrdreg s6  }
0xab: {  	[dreg:$0x4] =	wrdreg $0xC0  }
0xac: {  	_ =	task [dreg:s8], $0x5FFFF  }
0xad: {  	[dreg:$0x1] =	wrdreg $0xFFFFFFFF  }
0xae: {  	[dreg:$0x0] =	wrdreg $0x60  }
0xaf: {  	[dreg:$0x2] =	wrdreg s24  }
0xb0: {  	[dreg:$0x3] =	wrdreg s2  }
0xb1: {  	[dreg:$0x4] =	wrdreg s18  }
0xb2: {  	[dreg:$0x5] =	wrdreg $0x9  }
0xb3: {  	_ =	task.clear_ibuf [dreg:s8], $0x6FFFF;
	_ =	strace $0x90000046  }
0xb4: {  	s29 =	simm.s32 $0x9;
	_ =	strace $0x80000048  }
0xb5: {  	_ =	swait.ge [sflag:s29], $0x1  }
0xb6: {  	[sflag:s29] =	ssyncadd.s32 $0xFFFFFFFF  }
0xb7: {  	_ =	strace $0x90000048  }
0xb8: {  	_ =	sfence  }
0xb9: {  	s30 =	sld [smem:$0x0];
	_ =	sdelay $0x2  }
0xba: {  	s31 =	sshll.u32 s1, $0xD;
	s1 =	sshrl.u32 s1, $0x2  }
0xbb: {  	s3 =	sand.u32 $0x4000, s31;
	s1 =	sadd.s32 s1, s30  }
0xbc: {  	s0 =	sor.u32 s3, s0;
	s1 =	sshll.u32 s1, $0x11  }
0xbd: {  	s0 =	sor.u32 s1, s0  }
0xbe: {  	s0 =	sadd.s32 $0x8F2B, s0  }
0xbf: {  	[sflag:s0] =	ssyncadd.remote.s32 $0x1  }
0xc0: {  	_ =	sfence.sel $0xFFFF  }
0xc1: {  	[dreg:$0x0] =	wrdreg $0xFFFFFFFF;
	(pc) =	sbr.abs _section_cstart, $3  }
0xc2: {  	[dreg:$0x1] =	wrdreg $0xFFFFFFFF  }
0xc3: {  	_ =	task.clear_ibuf [dreg:s8], $0x2FFFF;
	_ =	strace $0x9FFFFFFF  }
0xc4: {  	(tm) =	ssettm $0x7FFFFFFF  }
0xc5: {  	_ =	shalt  }
tec
execute0_lowered:
.L_overlay_start_1:
0x0: {  	(tag) =	ssettag $0x1  }
0x1: {  	s0 =	rddreg [dreg:$0x0]  }
0x2: {  	s2 =	rddreg [dreg:$0x1]  }
0x3: {  	s1 =	rddreg [dreg:$0x2];
	s3 =	srdreg.scid  }
0x4: {  	s5 =	stileid.u32;
	s10 =	simm.s32 $0x1;
	s21 =	simm.s32 $0x3  }
0x5: {  	s20 =	simm.s32 $0x5;
	s28 =	simm.s32 $0x1880;
	s29 =	simm.s32 $0x2080  }
0x6: {  	s30 =	simm.s32 $0x2880;
	s31 =	simm.s32 $0x3080;
	s11 =	simm.s32 $0x4880  }
0x7: {  	s12 =	simm.s32 $0x5080;
	s13 =	simm.s32 $0x5880;
	s14 =	simm.s32 $0x6080  }
0x8: {  	s15 =	simm.s32 $0x6880;
	s16 =	simm.s32 $0x7080;
	s17 =	simm.s32 $0x7880  }
0x9: {  	s9 =	simm.s32 $0x8080;
	s18 =	simm.s32 $0x8880;
	s19 =	simm.s32 $0x9080  }
0xa: {  	s22 =	simm.s32 $0x9880;
	s4 =	sand.u32 $0x1, s3;
	s3 =	simm.s32 $0x0  }
0xb: {  	s5 =	sshll.u32 s5, $0x8;
	s7 =	sadd.s32 $0x300, s2;
	s6 =	sshll.u32 s4, $0x7  }
0xc: {  	[smem:$0x7FF] =	sst s3;
	s4 =	ssub.s32 $0x2, s4;
	s5 =	sor.u32 s6, s5  }
0xd: {  	_ =	strace $0x80000047;
	s6 =	sshrl.u32 s5, $0x3;
	s5 =	sshll.u32 s5, $0x7  }
0xe: {  	s23 =	sshrl.u32 s4, $0x1;
	s0 =	sadd.s32 s6, s0;
	s1 =	sadd.s32 s1, s5  }
0xf: {  	s4 =	ssub.s32 s4, s23;
	s0 =	sadd.s32 $0x1200, s0;
	[dreg:$0x8] =	wrdreg s1  }
0x10: {  	s5 =	sadd.s32 $0x100, s2;
	s24 =	sadd.s32 $0x1000, s1;
	[dreg:$0x4] =	wrdreg s0  }
0x11: {  	s6 =	sadd.s32 $0x200, s2;
	s25 =	sadd.s32 $0x2000, s1;
	[dreg:$0x5] =	wrdreg s24  }
0x12: {  	v2 =	vlaneseq.u32;
	s8 =	smax.u32 s4, $0x1;
	s26 =	sadd.s32 $0x3000, s1;
	[dreg:$0x6] =	wrdreg s25  }
0x13: {  	vm0 =	vmmov $0xffff;
	v1 =	vshrl.u32 v2, $0x3;
	s4 =	simm.s32 $0x2;
	s1 =	simm.s32 $0x4080;
	[dreg:$0x7] =	wrdreg s26  }
0x14: {  	v0 =	vand.u32 $0x7, v2;
	v2 =	vor.u32 $0x8, v2;
	v1 =	vmul.u32 $0x8, v1;
	s26 =	simm.s32 $0x80;
	s24 =	simm.s32 $0x880;
	s25 =	simm.s32 $0x1080  }
.LBB2_1:
0x15: {  	s23 =	rddreg [dreg:$0x4]  }
0x16: {  	[tilespmem:s3], [sflag:$0x5] =	stream.linear.gather [hbm4b:s23+s3], $0x80, $0x38;
	[tilespmem:$0x10080] =	vst v63  }
0x17: {  	_ =	swait.ge [sflag:s20], $0x80  }
0x18: {  	[sflag:s20] =	ssyncset.done $0x0  }
0x19: {  	[sflag:s20] =	ssyncadd.s32 $0xFFFFFF80  }
0x1a: {  	v3 =	vld [tilespmem:$0x0];
	_ =	sdelay $0x4  }
0x1b: {  	v4 =	vshll.u32 v3, $0x3  }
0x1c: {  	v3 =	vand.u32 $0x7, v3;
	v4 =	vand.u32 $0xFFFFFFC0, v4  }
0x1d: {  	v3 =	vor.u32 v3, v4  }
0x1e: {  	v4 =	vperm.xlane v3, v0;
	_ =	sdelay $0x1  }
0x1f: {  	v4 =	vadd.s32 v1, v4;
	_ =	sdelay $0x4  }
0x20: {  	[tilespmem:s26], [sflag:$0x1] =	stream.indirect_vreg.gather [hbm4b:s2+s3], $0x80, v4, vm0, $0xb8;
	[tilespmem:$0x10080] =	vst v63  }
0x21: {  	v3 =	vperm.xlane v3, v2  }
0x22: {  	[tilespmem:s24], [sflag:$0x1] =	stream.indirect_vreg.gather [hbm4b:s5+s3], $0x80, v4, vm0, $0xb8;
	[tilespmem:$0x10080] =	vst v63  }
0x23: {  	v3 =	vadd.s32 v1, v3  }
0x24: {  	[tilespmem:s25], [sflag:$0x1] =	stream.indirect_vreg.gather [hbm4b:s6+s3], $0x80, v4, vm0, $0xb8;
	[tilespmem:$0x10080] =	vst v63  }
0x25: {  	_ = 	snop  }
0x26: {  	[tilespmem:s28], [sflag:$0x1] =	stream.indirect_vreg.gather [hbm4b:s7+s3], $0x80, v4, vm0, $0xb8;
	[tilespmem:$0x10080] =	vst v63  }
0x27: {  	_ = 	snop  }
0x28: {  	[tilespmem:s29], [sflag:$0x1] =	stream.indirect_vreg.gather [hbm4b:s2+s3], $0x80, v3, vm0, $0xb8;
	[tilespmem:$0x10080] =	vst v63  }
0x29: {  	_ = 	snop  }
0x2a: {  	[tilespmem:s30], [sflag:$0x1] =	stream.indirect_vreg.gather [hbm4b:s5+s3], $0x80, v3, vm0, $0xb8;
	[tilespmem:$0x10080] =	vst v63  }
0x2b: {  	_ = 	snop  }
0x2c: {  	[tilespmem:s31], [sflag:$0x1] =	stream.indirect_vreg.gather [hbm4b:s6+s3], $0x80, v3, vm0, $0xb8;
	[tilespmem:$0x10080] =	vst v63  }
0x2d: {  	s0 =	simm.s32 $0x3880  }
0x2e: {  	[tilespmem:s0], [sflag:$0x1] =	stream.indirect_vreg.gather [hbm4b:s7+s3], $0x80, v3, vm0, $0xb8;
	[tilespmem:$0x10080] =	vst v63  }
0x2f: {  	v3 =	vld [tilespmem:$0x10];
	_ =	sdelay $0x4  }
0x30: {  	v57 =	vshll.u32 v3, $0x3  }
0x31: {  	v3 =	vand.u32 $0x7, v3;
	v4 =	vand.u32 $0xFFFFFFC0, v57  }
0x32: {  	v3 =	vor.u32 v3, v4  }
0x33: {  	v4 =	vperm.xlane v3, v0;
	_ =	sdelay $0x1  }
0x34: {  	v4 =	vadd.s32 v1, v4;
	_ =	sdelay $0x4  }
0x35: {  	[tilespmem:s1], [sflag:$0x1] =	stream.indirect_vreg.gather [hbm4b:s2+s3], $0x80, v4, vm0, $0xb8;
	[tilespmem:$0x10080] =	vst v63  }
0x36: {  	v3 =	vperm.xlane v3, v2  }
0x37: {  	[tilespmem:s11], [sflag:$0x1] =	stream.indirect_vreg.gather [hbm4b:s5+s3], $0x80, v4, vm0, $0xb8;
	[tilespmem:$0x10080] =	vst v63  }
0x38: {  	v3 =	vadd.s32 v1, v3  }
0x39: {  	[tilespmem:s12], [sflag:$0x1] =	stream.indirect_vreg.gather [hbm4b:s6+s3], $0x80, v4, vm0, $0xb8;
	[tilespmem:$0x10080] =	vst v63  }
0x3a: {  	_ = 	snop  }
0x3b: {  	[tilespmem:s13], [sflag:$0x1] =	stream.indirect_vreg.gather [hbm4b:s7+s3], $0x80, v4, vm0, $0xb8;
	[tilespmem:$0x10080] =	vst v63  }
0x3c: {  	_ = 	snop  }
0x3d: {  	[tilespmem:s14], [sflag:$0x1] =	stream.indirect_vreg.gather [hbm4b:s2+s3], $0x80, v3, vm0, $0xb8;
	[tilespmem:$0x10080] =	vst v63  }
0x3e: {  	_ = 	snop  }
0x3f: {  	[tilespmem:s15], [sflag:$0x1] =	stream.indirect_vreg.gather [hbm4b:s5+s3], $0x80, v3, vm0, $0xb8;
	[tilespmem:$0x10080] =	vst v63  }
0x40: {  	_ = 	snop  }
0x41: {  	[tilespmem:s16], [sflag:$0x1] =	stream.indirect_vreg.gather [hbm4b:s6+s3], $0x80, v3, vm0, $0xb8;
	[tilespmem:$0x10080] =	vst v63  }
0x42: {  	_ = 	snop  }
0x43: {  	[tilespmem:s17], [sflag:$0x1] =	stream.indirect_vreg.gather [hbm4b:s7+s3], $0x80, v3, vm0, $0xb8;
	[tilespmem:$0x10080] =	vst v63  }
0x44: {  	v3 =	vld [tilespmem:$0x20];
	_ =	sdelay $0x4  }
0x45: {  	v58 =	vshll.u32 v3, $0x3  }
0x46: {  	v3 =	vand.u32 $0x7, v3;
	v4 =	vand.u32 $0xFFFFFFC0, v58  }
0x47: {  	v3 =	vor.u32 v3, v4  }
0x48: {  	v4 =	vperm.xlane v3, v0;
	_ =	sdelay $0x1  }
0x49: {  	v4 =	vadd.s32 v1, v4;
	_ =	sdelay $0x4  }
0x4a: {  	[tilespmem:s9], [sflag:$0x2] =	stream.indirect_vreg.gather [hbm4b:s2+s3], $0x80, v4, vm0, $0xb8;
	[tilespmem:$0x10080] =	vst v63  }
0x4b: {  	v3 =	vperm.xlane v3, v2  }
0x4c: {  	[tilespmem:s18], [sflag:$0x2] =	stream.indirect_vreg.gather [hbm4b:s5+s3], $0x80, v4, vm0, $0xb8;
	[tilespmem:$0x10080] =	vst v63  }
0x4d: {  	v3 =	vadd.s32 v1, v3  }
0x4e: {  	[tilespmem:s19], [sflag:$0x2] =	stream.indirect_vreg.gather [hbm4b:s6+s3], $0x80, v4, vm0, $0xb8;
	[tilespmem:$0x10080] =	vst v63  }
0x4f: {  	_ = 	snop  }
0x50: {  	[tilespmem:s22], [sflag:$0x2] =	stream.indirect_vreg.gather [hbm4b:s7+s3], $0x80, v4, vm0, $0xb8;
	[tilespmem:$0x10080] =	vst v63  }
0x51: {  	s23 =	simm.s32 $0xA080  }
0x52: {  	[tilespmem:s23], [sflag:$0x2] =	stream.indirect_vreg.gather [hbm4b:s2+s3], $0x80, v3, vm0, $0xb8;
	[tilespmem:$0x10080] =	vst v63  }
0x53: {  	s23 =	simm.s32 $0xA880  }
0x54: {  	[tilespmem:s23], [sflag:$0x2] =	stream.indirect_vreg.gather [hbm4b:s5+s3], $0x80, v3, vm0, $0xb8;
	[tilespmem:$0x10080] =	vst v63  }
0x55: {  	s23 =	simm.s32 $0xB080  }
0x56: {  	[tilespmem:s23], [sflag:$0x2] =	stream.indirect_vreg.gather [hbm4b:s6+s3], $0x80, v3, vm0, $0xb8;
	[tilespmem:$0x10080] =	vst v63  }
0x57: {  	s23 =	simm.s32 $0xB880  }
0x58: {  	[tilespmem:s23], [sflag:$0x2] =	stream.indirect_vreg.gather [hbm4b:s7+s3], $0x80, v3, vm0, $0xb8;
	[tilespmem:$0x10080] =	vst v63  }
0x59: {  	v3 =	vld [tilespmem:$0x30];
	_ =	sdelay $0x4  }
0x5a: {  	v59 =	vshll.u32 v3, $0x3  }
0x5b: {  	v3 =	vand.u32 $0x7, v3;
	v4 =	vand.u32 $0xFFFFFFC0, v59  }
0x5c: {  	v3 =	vor.u32 v3, v4  }
0x5d: {  	v4 =	vperm.xlane v3, v0;
	_ =	sdelay $0x1  }
0x5e: {  	v4 =	vadd.s32 v1, v4;
	_ =	sdelay $0x3  }
0x5f: {  	s23 =	simm.s32 $0xC080  }
0x60: {  	[tilespmem:s23], [sflag:$0x2] =	stream.indirect_vreg.gather [hbm4b:s2+s3], $0x80, v4, vm0, $0xb8;
	[tilespmem:$0x10080] =	vst v63  }
0x61: {  	v3 =	vperm.xlane v3, v2;
	s23 =	simm.s32 $0xC880  }
0x62: {  	[tilespmem:s23], [sflag:$0x2] =	stream.indirect_vreg.gather [hbm4b:s5+s3], $0x80, v4, vm0, $0xb8;
	[tilespmem:$0x10080] =	vst v63  }
0x63: {  	v3 =	vadd.s32 v1, v3;
	s23 =	simm.s32 $0xD080  }
0x64: {  	[tilespmem:s23], [sflag:$0x2] =	stream.indirect_vreg.gather [hbm4b:s6+s3], $0x80, v4, vm0, $0xb8;
	[tilespmem:$0x10080] =	vst v63  }
0x65: {  	s23 =	simm.s32 $0xD880  }
0x66: {  	[tilespmem:s23], [sflag:$0x2] =	stream.indirect_vreg.gather [hbm4b:s7+s3], $0x80, v4, vm0, $0xb8;
	[tilespmem:$0x10080] =	vst v63  }
0x67: {  	s23 =	simm.s32 $0xE080  }
0x68: {  	[tilespmem:s23], [sflag:$0x2] =	stream.indirect_vreg.gather [hbm4b:s2+s3], $0x80, v3, vm0, $0xb8;
	[tilespmem:$0x10080] =	vst v63  }
0x69: {  	s23 =	simm.s32 $0xE880  }
0x6a: {  	[tilespmem:s23], [sflag:$0x2] =	stream.indirect_vreg.gather [hbm4b:s5+s3], $0x80, v3, vm0, $0xb8;
	[tilespmem:$0x10080] =	vst v63  }
0x6b: {  	s23 =	simm.s32 $0xF080  }
0x6c: {  	[tilespmem:s23], [sflag:$0x2] =	stream.indirect_vreg.gather [hbm4b:s6+s3], $0x80, v3, vm0, $0xb8;
	[tilespmem:$0x10080] =	vst v63  }
0x6d: {  	s23 =	simm.s32 $0xF880  }
0x6e: {  	[tilespmem:s23], [sflag:$0x2] =	stream.indirect_vreg.gather [hbm4b:s7+s3], $0x80, v3, vm0, $0xb8;
	[tilespmem:$0x10080] =	vst v63  }
0x6f: {  	_ =	swait.ge [sflag:s10], $0x8000  }
0x70: {  	[sflag:s10] =	ssyncset.done $0x0  }
0x71: {  	s23 =	rddreg [dreg:$0x8];
	[sflag:s10] =	ssyncadd.s32 $0xFFFF8000  }
0x72: {  	[hbm4b:s23+s3] =	stream.linear.scatter [tilespmem:s26], [sflag:$0x3], $0x8000, $0x38;
	[tilespmem:$0x10080] =	vst v63  }
0x73: {  	_ =	swait.ge [sflag:s21], $0x8000  }
0x74: {  	[sflag:s21] =	ssyncset.done $0x0  }
0x75: {  	[sflag:s21] =	ssyncadd.s32 $0xFFFF8000  }
0x76: {  	v3 =	vld [tilespmem:$0x40];
	_ =	sdelay $0x4  }
0x77: {  	v60 =	vshll.u32 v3, $0x3  }
0x78: {  	v3 =	vand.u32 $0x7, v3;
	v4 =	vand.u32 $0xFFFFFFC0, v60  }
0x79: {  	v3 =	vor.u32 v3, v4  }
0x7a: {  	v4 =	vperm.xlane v3, v0;
	_ =	sdelay $0x1  }
0x7b: {  	v4 =	vadd.s32 v1, v4;
	_ =	sdelay $0x4  }
0x7c: {  	[tilespmem:s26], [sflag:$0x1] =	stream.indirect_vreg.gather [hbm4b:s2+s3], $0x80, v4, vm0, $0xb8;
	[tilespmem:$0x10080] =	vst v63  }
0x7d: {  	v3 =	vperm.xlane v3, v2  }
0x7e: {  	[tilespmem:s24], [sflag:$0x1] =	stream.indirect_vreg.gather [hbm4b:s5+s3], $0x80, v4, vm0, $0xb8;
	[tilespmem:$0x10080] =	vst v63  }
0x7f: {  	v3 =	vadd.s32 v1, v3  }
0x80: {  	[tilespmem:s25], [sflag:$0x1] =	stream.indirect_vreg.gather [hbm4b:s6+s3], $0x80, v4, vm0, $0xb8;
	[tilespmem:$0x10080] =	vst v63  }
0x81: {  	_ = 	snop  }
0x82: {  	[tilespmem:s28], [sflag:$0x1] =	stream.indirect_vreg.gather [hbm4b:s7+s3], $0x80, v4, vm0, $0xb8;
	[tilespmem:$0x10080] =	vst v63  }
0x83: {  	_ = 	snop  }
0x84: {  	[tilespmem:s29], [sflag:$0x1] =	stream.indirect_vreg.gather [hbm4b:s2+s3], $0x80, v3, vm0, $0xb8;
	[tilespmem:$0x10080] =	vst v63  }
0x85: {  	_ = 	snop  }
0x86: {  	[tilespmem:s30], [sflag:$0x1] =	stream.indirect_vreg.gather [hbm4b:s5+s3], $0x80, v3, vm0, $0xb8;
	[tilespmem:$0x10080] =	vst v63  }
0x87: {  	_ = 	snop  }
0x88: {  	[tilespmem:s31], [sflag:$0x1] =	stream.indirect_vreg.gather [hbm4b:s6+s3], $0x80, v3, vm0, $0xb8;
	[tilespmem:$0x10080] =	vst v63  }
0x89: {  	_ = 	snop  }
0x8a: {  	[tilespmem:s0], [sflag:$0x1] =	stream.indirect_vreg.gather [hbm4b:s7+s3], $0x80, v3, vm0, $0xb8;
	[tilespmem:$0x10080] =	vst v63  }
0x8b: {  	v3 =	vld [tilespmem:$0x50];
	_ =	sdelay $0x4  }
0x8c: {  	v61 =	vshll.u32 v3, $0x3  }
0x8d: {  	v3 =	vand.u32 $0x7, v3;
	v4 =	vand.u32 $0xFFFFFFC0, v61  }
0x8e: {  	v3 =	vor.u32 v3, v4  }
0x8f: {  	v4 =	vperm.xlane v3, v0;
	_ =	sdelay $0x1  }
0x90: {  	v4 =	vadd.s32 v1, v4;
	_ =	sdelay $0x4  }
0x91: {  	[tilespmem:s1], [sflag:$0x1] =	stream.indirect_vreg.gather [hbm4b:s2+s3], $0x80, v4, vm0, $0xb8;
	[tilespmem:$0x10080] =	vst v63  }
0x92: {  	v3 =	vperm.xlane v3, v2  }
0x93: {  	[tilespmem:s11], [sflag:$0x1] =	stream.indirect_vreg.gather [hbm4b:s5+s3], $0x80, v4, vm0, $0xb8;
	[tilespmem:$0x10080] =	vst v63  }
0x94: {  	v3 =	vadd.s32 v1, v3  }
0x95: {  	[tilespmem:s12], [sflag:$0x1] =	stream.indirect_vreg.gather [hbm4b:s6+s3], $0x80, v4, vm0, $0xb8;
	[tilespmem:$0x10080] =	vst v63  }
0x96: {  	_ = 	snop  }
0x97: {  	[tilespmem:s13], [sflag:$0x1] =	stream.indirect_vreg.gather [hbm4b:s7+s3], $0x80, v4, vm0, $0xb8;
	[tilespmem:$0x10080] =	vst v63  }
0x98: {  	_ = 	snop  }
0x99: {  	[tilespmem:s14], [sflag:$0x1] =	stream.indirect_vreg.gather [hbm4b:s2+s3], $0x80, v3, vm0, $0xb8;
	[tilespmem:$0x10080] =	vst v63  }
0x9a: {  	_ = 	snop  }
0x9b: {  	[tilespmem:s15], [sflag:$0x1] =	stream.indirect_vreg.gather [hbm4b:s5+s3], $0x80, v3, vm0, $0xb8;
	[tilespmem:$0x10080] =	vst v63  }
0x9c: {  	_ = 	snop  }
0x9d: {  	[tilespmem:s16], [sflag:$0x1] =	stream.indirect_vreg.gather [hbm4b:s6+s3], $0x80, v3, vm0, $0xb8;
	[tilespmem:$0x10080] =	vst v63  }
0x9e: {  	_ = 	snop  }
0x9f: {  	[tilespmem:s17], [sflag:$0x1] =	stream.indirect_vreg.gather [hbm4b:s7+s3], $0x80, v3, vm0, $0xb8;
	[tilespmem:$0x10080] =	vst v63  }
0xa0: {  	_ =	swait.ge [sflag:s4], $0x8000  }
0xa1: {  	[sflag:s4] =	ssyncset.done $0x0  }
0xa2: {  	s23 =	simm.s32 $0x4;
	s0 =	rddreg [dreg:$0x5];
	[sflag:s4] =	ssyncadd.s32 $0xFFFF8000  }
0xa3: {  	[hbm4b:s0+s3] =	stream.linear.scatter [tilespmem:s9], [sflag:$0x4], $0x8000, $0x38;
	[tilespmem:$0x10080] =	vst v63  }
0xa4: {  	_ =	swait.ge [sflag:s23], $0x8000  }
0xa5: {  	[sflag:s23] =	ssyncset.done $0x0  }
0xa6: {  	[sflag:s23] =	ssyncadd.s32 $0xFFFF8000  }
0xa7: {  	v3 =	vld [tilespmem:$0x60];
	_ =	sdelay $0x4  }
0xa8: {  	v62 =	vshll.u32 v3, $0x3  }
0xa9: {  	v3 =	vand.u32 $0x7, v3;
	v4 =	vand.u32 $0xFFFFFFC0, v62  }
0xaa: {  	v3 =	vor.u32 v3, v4  }
0xab: {  	v4 =	vperm.xlane v3, v0;
	_ =	sdelay $0x1  }
0xac: {  	v4 =	vadd.s32 v1, v4;
	_ =	sdelay $0x4  }
0xad: {  	[tilespmem:s9], [sflag:$0x2] =	stream.indirect_vreg.gather [hbm4b:s2+s3], $0x80, v4, vm0, $0xb8;
	[tilespmem:$0x10080] =	vst v63  }
0xae: {  	v3 =	vperm.xlane v3, v2  }
0xaf: {  	[tilespmem:s18], [sflag:$0x2] =	stream.indirect_vreg.gather [hbm4b:s5+s3], $0x80, v4, vm0, $0xb8;
	[tilespmem:$0x10080] =	vst v63  }
0xb0: {  	v3 =	vadd.s32 v1, v3  }
0xb1: {  	[tilespmem:s19], [sflag:$0x2] =	stream.indirect_vreg.gather [hbm4b:s6+s3], $0x80, v4, vm0, $0xb8;
	[tilespmem:$0x10080] =	vst v63  }
0xb2: {  	_ = 	snop  }
0xb3: {  	[tilespmem:s22], [sflag:$0x2] =	stream.indirect_vreg.gather [hbm4b:s7+s3], $0x80, v4, vm0, $0xb8;
	[tilespmem:$0x10080] =	vst v63  }
0xb4: {  	s23 =	simm.s32 $0xA080  }
0xb5: {  	[tilespmem:s23], [sflag:$0x2] =	stream.indirect_vreg.gather [hbm4b:s2+s3], $0x80, v3, vm0, $0xb8;
	[tilespmem:$0x10080] =	vst v63  }
0xb6: {  	s23 =	simm.s32 $0xA880  }
0xb7: {  	[tilespmem:s23], [sflag:$0x2] =	stream.indirect_vreg.gather [hbm4b:s5+s3], $0x80, v3, vm0, $0xb8;
	[tilespmem:$0x10080] =	vst v63  }
0xb8: {  	s23 =	simm.s32 $0xB080  }
0xb9: {  	[tilespmem:s23], [sflag:$0x2] =	stream.indirect_vreg.gather [hbm4b:s6+s3], $0x80, v3, vm0, $0xb8;
	[tilespmem:$0x10080] =	vst v63  }
0xba: {  	s23 =	simm.s32 $0xB880  }
0xbb: {  	[tilespmem:s23], [sflag:$0x2] =	stream.indirect_vreg.gather [hbm4b:s7+s3], $0x80, v3, vm0, $0xb8;
	[tilespmem:$0x10080] =	vst v63  }
0xbc: {  	v3 =	vld [tilespmem:$0x70];
	_ =	sdelay $0x4  }
0xbd: {  	v63 =	vshll.u32 v3, $0x3  }
0xbe: {  	v3 =	vand.u32 $0x7, v3;
	v4 =	vand.u32 $0xFFFFFFC0, v63  }
0xbf: {  	v3 =	vor.u32 v3, v4  }
0xc0: {  	v4 =	vperm.xlane v3, v0;
	_ =	sdelay $0x1  }
0xc1: {  	v4 =	vadd.s32 v1, v4;
	_ =	sdelay $0x3  }
0xc2: {  	s23 =	simm.s32 $0xC080  }
0xc3: {  	[tilespmem:s23], [sflag:$0x2] =	stream.indirect_vreg.gather [hbm4b:s2+s3], $0x80, v4, vm0, $0xb8;
	[tilespmem:$0x10080] =	vst v63  }
0xc4: {  	v3 =	vperm.xlane v3, v2;
	s23 =	simm.s32 $0xC880  }
0xc5: {  	[tilespmem:s23], [sflag:$0x2] =	stream.indirect_vreg.gather [hbm4b:s5+s3], $0x80, v4, vm0, $0xb8;
	[tilespmem:$0x10080] =	vst v63  }
0xc6: {  	v3 =	vadd.s32 v1, v3;
	s23 =	simm.s32 $0xD080  }
0xc7: {  	[tilespmem:s23], [sflag:$0x2] =	stream.indirect_vreg.gather [hbm4b:s6+s3], $0x80, v4, vm0, $0xb8;
	[tilespmem:$0x10080] =	vst v63  }
0xc8: {  	s23 =	simm.s32 $0xD880  }
0xc9: {  	[tilespmem:s23], [sflag:$0x2] =	stream.indirect_vreg.gather [hbm4b:s7+s3], $0x80, v4, vm0, $0xb8;
	[tilespmem:$0x10080] =	vst v63  }
0xca: {  	s23 =	simm.s32 $0xE080  }
0xcb: {  	[tilespmem:s23], [sflag:$0x2] =	stream.indirect_vreg.gather [hbm4b:s2+s3], $0x80, v3, vm0, $0xb8;
	[tilespmem:$0x10080] =	vst v63  }
0xcc: {  	s23 =	simm.s32 $0xE880  }
0xcd: {  	[tilespmem:s23], [sflag:$0x2] =	stream.indirect_vreg.gather [hbm4b:s5+s3], $0x80, v3, vm0, $0xb8;
	[tilespmem:$0x10080] =	vst v63  }
0xce: {  	s23 =	simm.s32 $0xF080  }
0xcf: {  	[tilespmem:s23], [sflag:$0x2] =	stream.indirect_vreg.gather [hbm4b:s6+s3], $0x80, v3, vm0, $0xb8;
	[tilespmem:$0x10080] =	vst v63  }
0xd0: {  	s23 =	simm.s32 $0xF880  }
0xd1: {  	[tilespmem:s23], [sflag:$0x2] =	stream.indirect_vreg.gather [hbm4b:s7+s3], $0x80, v3, vm0, $0xb8;
	[tilespmem:$0x10080] =	vst v63  }
0xd2: {  	_ =	swait.ge [sflag:s10], $0x8000  }
0xd3: {  	[sflag:s10] =	ssyncset.done $0x0  }
0xd4: {  	s0 =	rddreg [dreg:$0x6];
	[sflag:s10] =	ssyncadd.s32 $0xFFFF8000  }
0xd5: {  	[hbm4b:s0+s3] =	stream.linear.scatter [tilespmem:s26], [sflag:$0x3], $0x8000, $0x38;
	[tilespmem:$0x10080] =	vst v63  }
0xd6: {  	_ =	swait.ge [sflag:s4], $0x8000  }
0xd7: {  	[sflag:s4] =	ssyncset.done $0x0  }
0xd8: {  	s0 =	rddreg [dreg:$0x7];
	[sflag:s4] =	ssyncadd.s32 $0xFFFF8000  }
0xd9: {  	[hbm4b:s0+s3] =	stream.linear.scatter [tilespmem:s9], [sflag:$0x5], $0x8000, $0x38;
	[tilespmem:$0x10080] =	vst v63  }
0xda: {  	p0 =	sne.s32 s8, $0x1;
	_ =	swait.ge [sflag:s20], $0x8000  }
.Ltmp0:
0xdb: {  	[sflag:s20] =	ssyncset.done $0x0;
	(pc) =	sbr.rel @p0 .LBB2_1-.Ltmp0, $4  }
0xdc: {  	[sflag:s20] =	ssyncadd.s32 $0xFFFF8000  }
0xdd: {  	_ =	swait.ge [sflag:s21], $0x8000  }
0xde: {  	[sflag:s21] =	ssyncset.done $0x0  }
0xdf: {  	s8 =	sadd.s32 $0xFFFFFFFF, s8;
	[sflag:s21] =	ssyncadd.s32 $0xFFFF8000  }
0xe0: {  	_ =	sfence.sel $0x180000  }
0xe1: {  	[bflag:$0x0] =	sbarrier.arrive $0xFFFF  }
0xe2: {  	_ =	strace $0x90000047  }
0xe3: {  	s0 =	stileid.u32;
	[bflag:$0x2] =	sbarrier.arrive $0xFFFF  }
0xe4: {  	p0 =	sne.s32 s0, $0x0;
	s0 =	rddreg [dreg:$0x3]  }
0xe5: {  	s0 =	sadd.s32 @!p0 $0x100000, s0  }
0xe6: {  	[sflag:s0] =	ssyncadd.tile.s32 @!p0 $0x1;
	_ =	shalt  }
.Lfunc_end2:
_tile_overlayer_lowered:
.L_overlay_start_2:
0xe7: {  	(tag) =	ssettag $0x2  }
0xe8: {  	s0 =	rddreg [dreg:$0x0];
	s2 =	stileid.u32  }
0xe9: {  	s1 =	rddreg [dreg:$0x1];
	p0 =	sne.s32 s2, $0x0  }
0xea: {  	s3 =	rddreg [dreg:$0x2];
	[bflag:$0x3] =	sbarrier.arrive $0xFFFF;
	s2 =	simm.s32 @!p0 $0x1C05  }
0xeb: {  	[timem:s3], [sflag:s2] =	dma.local @!p0 [hbm:s0], s1  }
0xec: {  	s0 =	simm.s32 @!p0 $0x5  }
0xed: {  	_ =	swait.ge @!p0 [sflag:s0], s1  }
0xee: {  	s1 =	ssub.s32 @!p0 $0x0, s1;
	[sflag:s0] =	ssyncset.done @!p0 $0x0  }
0xef: {  	[sflag:s0] =	ssyncadd.s32 @!p0 s1  }
0xf0: {  	[bflag:$0x3] =	sbarrier.arrive $0xFFFF  }
0xf1: {  	_ =	shalt  }

// kernel: kernel.9.cloned.1.call-start
scs
__scs_entry_jumppad:
0x0: {  	(pc) =	sbr.rel $0x88, $3  }
0x1: {  	(tag) =	ssettag $0x0;
	lr =	simm.s32 $0x1  }
0x2: {  	[smem:$0x3F9D] =	sst lr;
	_ =	strace $0xD0000000  }
0x3: {  	_ = 	snop  }
0x4: {  	_ = 	snop  }
0x5: {  	_ = 	snop  }
0x6: {  	_ = 	snop  }
0x7: {  	_ = 	snop  }
__scs_overlays_trampoline_lowered:
0x8: {  	[smem:$0x3FAC] =	sst s0  }
0x9: {  	[smem:$0x3FAD] =	sst s1  }
0xa: {  	[smem:$0x3FAE] =	sst s2  }
0xb: {  	[smem:$0x3FAF] =	sst s3  }
0xc: {  	[smem:$0x3FB0] =	sst s4  }
0xd: {  	[smem:$0x3FB1] =	sst s5  }
0xe: {  	[smem:$0x3FB2] =	sst s6  }
0xf: {  	[smem:$0x3FB3] =	sst s7  }
0x10: {  	[smem:$0x3FB4] =	sst s8  }
0x11: {  	[smem:$0x3FB5] =	sst s9;
	s0 =	simm.s32 @!p0 $0x0  }
0x12: {  	s1 =	sld [smem:$0x3F9B];
	s0 =	simm.s32 @p0 $0x1  }
0x13: {  	[smem:$0x3FB6] =	sst s0;
	s0 =	simm.s32 @!p1 $0x0  }
0x14: {  	s2 =	sld [smem:$0x3F9A];
	s0 =	simm.s32 @p1 $0x1  }
0x15: {  	[smem:$0x3FB7] =	sst s0;
	s0 =	simm.s32 @!p2 $0x0  }
0x16: {  	s3 =	sld [smem:$0x3FDB];
	s0 =	simm.s32 @p2 $0x1  }
0x17: {  	s4 =	simm.s32 $0x1BF5;
	[smem:$0x3FB9] =	sst s0  }
0x18: {  	s0 =	sld [smem:$0x3F9C];
	_ =	swait.ge [sflag:s4], $0x0  }
0x19: {  	s7 =	sld [smem:$0x3F9D]  }
0x1a: {  	s8 =	sadd.s32 $0xFFFFE003, lr  }
0x1b: {  	s9 =	sadd.s32 $0xFFFFFEF7, lr;
	s5 =	simm.s32 $0xFFFFFFFF;
	p2 =	slt.u32 s8, $0xFFFFF086  }
0x1c: {  	p1 =	slt.u32 s9, $0xF7A;
	s5 =	simm.s32 @!p2 $0x0  }
0x1d: {  	s5 =	simm.s32 @p1 $0x1;
	p0 =	seq.s32 s7, s2  }
0x1e: {  	s7 =	smul.u32 @!p0 $0xF7A, s2;
	p2 =	seq.s32 @!p0 s5, $0x0  }
0x1f: {  	s9 =	smul.u32 $0xF7A, s1;
	s8 =	simm.s32 @!p0 $0x1BF5;
	p2 =	por !p2, p0  }
0x20: {  	[sflag:s8] =	ssyncset.s32 @!p0 $0xFFFFF086;
	s6 =	sadd.s32 @!p0 s3, s7;
	s7 =	simm.s32 @!p0 $0x108  }
0x21: {  	s3 =	sadd.s32 s3, s9;
	s6 =	sadd.s32 @!p0 $0x88, s6;
	s7 =	simm.s32 @p2 $0x1082  }
0x22: {  	[simem:s7], [sflag:s8] =	dma.local @!p0 [hbm:s6], $0xF7A  }
0x23: {  	s9 =	sor.u32 $0xD0000000, s2;
	s6 =	simm.s32 $0x108;
	_ =	swait.ge @!p0 [sflag:s8], $0x0  }
0x24: {  	s3 =	sadd.s32 $0x88, s3;
	s6 =	simm.s32 @!p1 $0x1082;
	[sflag:s4] =	ssyncset.s32 $0xFFFFF086  }
0x25: {  	[simem:s6], [sflag:s4] =	dma.local [hbm:s3], $0xF7A  }
0x26: {  	[smem:$0x3F9D] =	sst s1;
	(tag) =	ssettag s2;
	_ =	strace s9  }
0x27: {  	s1 =	sld [smem:$0x3FAD]  }
0x28: {  	s2 =	sld [smem:$0x3FAE]  }
0x29: {  	s4 =	sld [smem:$0x3FB0]  }
0x2a: {  	p0 =	seq.s32 s5, $0x0;
	s5 =	sld [smem:$0x3FB1]  }
0x2b: {  	s6 =	sld [smem:$0x3FB2]  }
0x2c: {  	s7 =	sld [smem:$0x3FB3]  }
0x2d: {  	s3 =	simm.s32 $0x108;
	s8 =	sld [smem:$0x3FB4]  }
0x2e: {  	s3 =	simm.s32 @!p0 $0x1082;
	s9 =	sld [smem:$0x3FB5]  }
0x2f: {  	lr =	sadd.s32 s0, s3;
	s0 =	sld [smem:$0x3FAC]  }
0x30: {  	s3 =	sld [smem:$0x3FAF]  }
0x31: {  	[smem:$0x3FB8] =	sst s10  }
0x32: {  	s10 =	sld [smem:$0x3FB6];
	_ =	sdelay $0x3  }
0x33: {  	p0 =	seq.s32 s10, $0x1;
	s10 =	sld [smem:$0x3FB8];
	_ =	sdelay $0x3  }
0x34: {  	[smem:$0x3FB8] =	sst s10  }
0x35: {  	s10 =	sld [smem:$0x3FB7];
	_ =	sdelay $0x3  }
0x36: {  	p1 =	seq.s32 s10, $0x1;
	s10 =	sld [smem:$0x3FB8];
	_ =	sdelay $0x3  }
0x37: {  	[smem:$0x3FB8] =	sst s10  }
0x38: {  	s10 =	sld [smem:$0x3FB9]  }
0x39: {  	_ = 	snop;
	(pc) =	sbr.ind lr, $3  }
0x3a: {  	_ = 	snop  }
0x3b: {  	_ = 	snop  }
0x3c: {  	p2 =	seq.s32 s10, $0x1;
	s10 =	sld [smem:$0x3FB8]  }
0x3d: {  	_ =	shalt  }
0x3e: {  	_ =	shalt  }
0x3f: {  	_ =	shalt  }
0x40: {  	_ =	shalt  }
0x41: {  	_ =	shalt  }
0x42: {  	_ =	shalt  }
0x43: {  	_ =	shalt  }
0x44: {  	_ =	shalt  }
0x45: {  	_ =	shalt  }
0x46: {  	_ =	shalt  }
0x47: {  	_ =	shalt  }
0x48: {  	_ =	shalt  }
0x49: {  	_ =	shalt  }
0x4a: {  	_ =	shalt  }
0x4b: {  	_ =	shalt  }
0x4c: {  	_ =	shalt  }
0x4d: {  	_ =	shalt  }
0x4e: {  	_ =	shalt  }
0x4f: {  	_ =	shalt  }
0x50: {  	_ =	shalt  }
0x51: {  	_ =	shalt  }
0x52: {  	_ =	shalt  }
0x53: {  	_ =	shalt  }
0x54: {  	_ =	shalt  }
0x55: {  	_ =	shalt  }
0x56: {  	_ =	shalt  }
0x57: {  	_ =	shalt  }
0x58: {  	_ =	shalt  }
0x59: {  	_ =	shalt  }
0x5a: {  	_ =	shalt  }
0x5b: {  	_ =	shalt  }
0x5c: {  	_ =	shalt  }
0x5d: {  	_ =	shalt  }
0x5e: {  	_ =	shalt  }
0x5f: {  	_ =	shalt  }
0x60: {  	_ =	shalt  }
0x61: {  	_ =	shalt  }
0x62: {  	_ =	shalt  }
0x63: {  	_ =	shalt  }
0x64: {  	_ =	shalt  }
0x65: {  	_ =	shalt  }
0x66: {  	_ =	shalt  }
0x67: {  	_ =	shalt  }
0x68: {  	_ =	shalt  }
0x69: {  	_ =	shalt  }
0x6a: {  	_ =	shalt  }
0x6b: {  	_ =	shalt  }
0x6c: {  	_ =	shalt  }
0x6d: {  	_ =	shalt  }
0x6e: {  	_ =	shalt  }
0x6f: {  	_ =	shalt  }
0x70: {  	_ =	shalt  }
0x71: {  	_ =	shalt  }
0x72: {  	_ =	shalt  }
0x73: {  	_ =	shalt  }
0x74: {  	_ =	shalt  }
0x75: {  	_ =	shalt  }
0x76: {  	_ =	shalt  }
0x77: {  	_ =	shalt  }
0x78: {  	_ =	shalt  }
0x79: {  	_ =	shalt  }
0x7a: {  	_ =	shalt  }
0x7b: {  	_ =	shalt  }
0x7c: {  	_ =	shalt  }
0x7d: {  	_ =	shalt  }
0x7e: {  	_ =	shalt  }
0x7f: {  	_ =	shalt  }
0x80: {  	_ =	shalt  }
0x81: {  	_ =	shalt  }
0x82: {  	_ =	shalt  }
0x83: {  	_ =	shalt  }
0x84: {  	_ =	shalt  }
0x85: {  	_ =	shalt  }
0x86: {  	_ =	shalt  }
0x87: {  	_ =	shalt  }
.Lfunc_end0:
.L_simem_size_0:
called_computation.1_lowered:
.L_overlay_start_0:
0x88: {  	s2 =	sld [smem:$0x3FD9]  }
0x89: {  	s3 =	sld [smem:$0x3FFE];
	_ =	sdelay $0x1  }
0x8a: {  	s1 =	srdreg.scid  }
0x8b: {  	s0 =	sand.u32 $0x1, s1  }
0x8c: {  	s17 =	sshll.u32 s0, $0xA;
	s2 =	sadd.s32 s3, s2  }
0x8d: {  	s2 =	sadd.s32 s2, s17  }
0x8e: {  	[smem:$0x3FC4] =	sst s2  }
0x8f: {  	_ = 	snop  }
0x90: {  	s18 =	sld [smem:$0x3FC8];
	(tm) =	ssettm $0x1  }
0x91: {  	s19 =	sld [smem:$0x3FFB];
	_ =	sdelay $0x3  }
0x92: {  	_ =	strace s19  }
0x93: {  	s2 =	sld [smem:$0x3FFC];
	_ =	sdelay $0x3  }
0x94: {  	_ =	strace s2  }
0x95: {  	s2 =	sld [smem:$0x3FFD];
	_ =	sdelay $0x3  }
0x96: {  	_ =	strace s2  }
0x97: {  	_ =	strace $0x8FFFFFFF  }
0x98: {  	s20 =	sld [smem:$0x3FDB];
	_ =	sdelay $0x1  }
0x99: {  	s4 =	simm.s32 $_scs_section_size  }
0x9a: {  	s5 =	simm.s32 $_size__tile_overlayer_lowered;
	s6 =	simm.s32 $_tile_overlayer_lowered  }
0x9b: {  	s7 =	simm.s32 $0x1BFF;
	s21 =	sshll.u32 s6, $0x1;
	s4 =	sadd.s32 s4, s20  }
0x9c: {  	s22 =	simm.s32 $0x0;
	s5 =	sshll.u32 s5, $0x1;
	s6 =	sadd.s32 s21, s4  }
0x9d: {  	[timem:s22], [sflag:s7] =	dma.local [hbm:s6], s5  }
0x9e: {  	_ =	swait.ge [sflag:s7], s5  }
0x9f: {  	s5 =	ssub.s32 $0x0, s5;
	[sflag:s7] =	ssyncset.done $0x0  }
0xa0: {  	[sflag:s7] =	ssyncadd.s32 s5;
	_ =	sdelay $0x1  }
0xa1: {  	s23 =	simm.s32 $0x1B8B  }
0xa2: {  	_ =	swait.ge [sflag:s23], $0x1  }
0xa3: {  	[sflag:s23] =	ssyncset.done $0x0  }
0xa4: {  	[sflag:s23] =	ssyncadd.s32 $0xFFFFFFFF  }
0xa5: {  	s5 =	sld [smem:$0x0]  }
0xa6: {  	s6 =	sand.u32 $0xFFFFFFFE, s1  }
0xa7: {  	p0 =	sne.s32 s1, s6  }
0xa8: {  	s6 =	sshll.u32 @p0 s6, $0xE  }
0xa9: {  	s6 =	sadd.s32 @p0 $0x11B8D, s6;
	s7 =	sshll.u32 @p0 s5, $0x11  }
0xaa: {  	s6 =	sor.u32 @p0 s7, s6  }
0xab: {  	[sflag:s6] =	ssyncadd.remote.s32 @p0 $0x1;
	_ =	sdelay $0x1  }
0xac: {  	s6 =	simm.s32 @p0 $0x1B8D  }
0xad: {  	_ =	swait.eq @p0 [sflag:s6], $0x1  }
0xae: {  	[sflag:s6] =	ssyncadd.s32 @p0 $0xFFFFFFFF  }
0xaf: {  	s7 =	sshll.u32 @!p0 s1, $0xE  }
0xb0: {  	s7 =	sor.u32 @!p0 $0x4000, s7;
	s6 =	simm.s32 @!p0 $0x1B8D  }
0xb1: {  	s5 =	sshll.u32 @!p0 s5, $0x11;
	s7 =	sadd.s32 @!p0 $0x11B8D, s7;
	_ =	swait.eq @!p0 [sflag:s6], $0x1  }
0xb2: {  	s5 =	sor.u32 @!p0 s5, s7;
	[sflag:s6] =	ssyncadd.s32 @!p0 $0xFFFFFFFF  }
0xb3: {  	s25 =	simm.s32 $0x1B8E;
	s24 =	sld [smem:$0x3FFE];
	[sflag:s5] =	ssyncadd.remote.s32 @!p0 $0x1  }
0xb4: {  	s26 =	simm.s32 $execute0_lowered;
	[smem:$0x3FD2] =	sst s25  }
0xb5: {  	s6 =	sshll.u32 s26, $0x1;
	_ =	strace $0x80000049;
	[dreg:$0x1] =	wrdreg $0xFFFFFFFF  }
0xb6: {  	s28 =	simm.s32 $_size_execute0_lowered;
	s4 =	sadd.s32 s4, s6;
	[dreg:$0x0] =	wrdreg $0x0  }
0xb7: {  	s6 =	sshll.u32 s28, $0x1;
	[dreg:$0x2] =	wrdreg s4  }
0xb8: {  	[dreg:$0x3] =	wrdreg s6  }
0xb9: {  	[dreg:$0x4] =	wrdreg $0xC0  }
0xba: {  	_ =	task [dreg:s22], $0x5FFFF  }
0xbb: {  	[dreg:$0x1] =	wrdreg $0xFFFFFFFF  }
0xbc: {  	[dreg:$0x0] =	wrdreg $0x60  }
0xbd: {  	[dreg:$0x2] =	wrdreg s24  }
0xbe: {  	[dreg:$0x3] =	wrdreg s18  }
0xbf: {  	[dreg:$0x4] =	wrdreg $0xA  }
0xc0: {  	_ =	task.clear_ibuf [dreg:s22], $0x5FFFF;
	_ =	strace $0x90000049  }
0xc1: {  	s29 =	simm.s32 $0xA;
	_ =	strace $0x8000004B  }
0xc2: {  	_ =	swait.ge [sflag:s29], $0x1  }
0xc3: {  	[sflag:s29] =	ssyncadd.s32 $0xFFFFFFFF  }
0xc4: {  	_ =	strace $0x9000004B  }
0xc5: {  	_ =	sfence  }
0xc6: {  	s30 =	sld [smem:$0x0];
	_ =	sdelay $0x2  }
0xc7: {  	s31 =	sshll.u32 s1, $0xD;
	s1 =	sshrl.u32 s1, $0x2  }
0xc8: {  	s4 =	sand.u32 $0x4000, s31;
	s1 =	sadd.s32 s1, s30  }
0xc9: {  	s0 =	sor.u32 s4, s0;
	s1 =	sshll.u32 s1, $0x11  }
0xca: {  	s0 =	sor.u32 s1, s0  }
0xcb: {  	s0 =	sadd.s32 $0x8F2B, s0  }
0xcc: {  	[sflag:s0] =	ssyncadd.remote.s32 $0x1  }
0xcd: {  	_ =	sfence.sel $0xFFFF  }
0xce: {  	[dreg:$0x0] =	wrdreg $0xFFFFFFFF;
	(pc) =	sbr.abs _section_cstart, $3  }
0xcf: {  	[dreg:$0x1] =	wrdreg $0xFFFFFFFF  }
0xd0: {  	_ =	task.clear_ibuf [dreg:s22], $0x2FFFF;
	_ =	strace $0x9FFFFFFF  }
0xd1: {  	(tm) =	ssettm $0x7FFFFFFF  }
tec
execute0_lowered:
.L_overlay_start_1:
0x0: {  	(tag) =	ssettag $0x1  }
0x1: {  	s0 =	rddreg [dreg:$0x0]  }
0x2: {  	s2 =	rddreg [dreg:$0x1]  }
0x3: {  	s1 =	srdreg.scid;
	s4 =	stileid.u32  }
0x4: {  	s3 =	simm.s32 $0x0;
	s9 =	simm.s32 $0x1;
	s19 =	simm.s32 $0x3  }
0x5: {  	s20 =	simm.s32 $0x2;
	s18 =	simm.s32 $0x5;
	s23 =	simm.s32 $0x880  }
0x6: {  	s24 =	simm.s32 $0x1080;
	s28 =	simm.s32 $0x2080;
	s29 =	simm.s32 $0x2880  }
0x7: {  	s30 =	simm.s32 $0x3080;
	s31 =	simm.s32 $0x3880;
	s10 =	simm.s32 $0x5080  }
0x8: {  	s11 =	simm.s32 $0x5880;
	s12 =	simm.s32 $0x6080;
	s13 =	simm.s32 $0x6880  }
0x9: {  	s14 =	simm.s32 $0x7080;
	s15 =	simm.s32 $0x7880;
	s1 =	sand.u32 $0x1, s1  }
0xa: {  	s8 =	simm.s32 $0x8080;
	s4 =	sshll.u32 s4, $0x8;
	s5 =	sshll.u32 s1, $0x7  }
0xb: {  	s16 =	simm.s32 $0x8880;
	s17 =	simm.s32 $0x9080;
	s4 =	sor.u32 s5, s4  }
0xc: {  	s21 =	simm.s32 $0x9880;
	[smem:$0x7FF] =	sst s3;
	s5 =	sshrl.u32 s4, $0x3  }
0xd: {  	_ =	strace $0x8000004A;
	s4 =	sshll.u32 s4, $0x7;
	s5 =	sadd.s32 s5, s0  }
0xe: {  	s1 =	ssub.s32 $0x2, s1;
	s0 =	sadd.s32 s4, s0;
	s5 =	sadd.s32 $0x1400, s5  }
0xf: {  	s25 =	sshrl.u32 s1, $0x1;
	s26 =	sadd.s32 $0x1600, s0;
	[dreg:$0x3] =	wrdreg s5  }
0x10: {  	s1 =	ssub.s32 s1, s25;
	s6 =	sadd.s32 $0x2600, s0;
	[dreg:$0x4] =	wrdreg s26  }
0x11: {  	s25 =	simm.s32 $0x80;
	s7 =	sadd.s32 $0x3600, s0;
	[dreg:$0x5] =	wrdreg s6  }
0x12: {  	v2 =	vlaneseq.u32;
	s4 =	sadd.s32 $0x100, s2;
	s0 =	sadd.s32 $0x4600, s0;
	[dreg:$0x6] =	wrdreg s7  }
0x13: {  	vm0 =	vmmov $0xffff;
	v1 =	vshrl.u32 v2, $0x3;
	s5 =	sadd.s32 $0x200, s2;
	s6 =	sadd.s32 $0x300, s2;
	[dreg:$0x7] =	wrdreg s0  }
0x14: {  	v0 =	vand.u32 $0x7, v2;
	v2 =	vor.u32 $0x8, v2;
	v1 =	vmul.u32 $0x8, v1;
	s7 =	smax.u32 s1, $0x1;
	s26 =	simm.s32 $0x1880;
	s1 =	simm.s32 $0x4880  }
.LBB2_1:
0x15: {  	s22 =	rddreg [dreg:$0x3]  }
0x16: {  	[tilespmem:s3], [sflag:$0x5] =	stream.linear.gather [hbm4b:s22+s3], $0x80, $0x38;
	[tilespmem:$0x10080] =	vst v63  }
0x17: {  	_ =	swait.ge [sflag:s18], $0x80  }
0x18: {  	[sflag:s18] =	ssyncset.done $0x0  }
0x19: {  	[sflag:s18] =	ssyncadd.s32 $0xFFFFFF80  }
0x1a: {  	v3 =	vld [tilespmem:$0x0];
	_ =	sdelay $0x4  }
0x1b: {  	v4 =	vshll.u32 v3, $0x3  }
0x1c: {  	v3 =	vand.u32 $0x7, v3;
	v4 =	vand.u32 $0xFFFFFFC0, v4  }
0x1d: {  	v3 =	vor.u32 v3, v4  }
0x1e: {  	v4 =	vperm.xlane v3, v0;
	_ =	sdelay $0x1  }
0x1f: {  	v4 =	vadd.s32 v1, v4;
	_ =	sdelay $0x4  }
0x20: {  	[tilespmem:s25], [sflag:$0x1] =	stream.indirect_vreg.gather [hbm4b:s2+s3], $0x80, v4, vm0, $0xb8;
	[tilespmem:$0x10080] =	vst v63  }
0x21: {  	v3 =	vperm.xlane v3, v2  }
0x22: {  	[tilespmem:s23], [sflag:$0x1] =	stream.indirect_vreg.gather [hbm4b:s4+s3], $0x80, v4, vm0, $0xb8;
	[tilespmem:$0x10080] =	vst v63  }
0x23: {  	v3 =	vadd.s32 v1, v3  }
0x24: {  	[tilespmem:s24], [sflag:$0x1] =	stream.indirect_vreg.gather [hbm4b:s5+s3], $0x80, v4, vm0, $0xb8;
	[tilespmem:$0x10080] =	vst v63  }
0x25: {  	_ = 	snop  }
0x26: {  	[tilespmem:s26], [sflag:$0x1] =	stream.indirect_vreg.gather [hbm4b:s6+s3], $0x80, v4, vm0, $0xb8;
	[tilespmem:$0x10080] =	vst v63  }
0x27: {  	_ = 	snop  }
0x28: {  	[tilespmem:s28], [sflag:$0x1] =	stream.indirect_vreg.gather [hbm4b:s2+s3], $0x80, v3, vm0, $0xb8;
	[tilespmem:$0x10080] =	vst v63  }
0x29: {  	_ = 	snop  }
0x2a: {  	[tilespmem:s29], [sflag:$0x1] =	stream.indirect_vreg.gather [hbm4b:s4+s3], $0x80, v3, vm0, $0xb8;
	[tilespmem:$0x10080] =	vst v63  }
0x2b: {  	_ = 	snop  }
0x2c: {  	[tilespmem:s30], [sflag:$0x1] =	stream.indirect_vreg.gather [hbm4b:s5+s3], $0x80, v3, vm0, $0xb8;
	[tilespmem:$0x10080] =	vst v63  }
0x2d: {  	_ = 	snop  }
0x2e: {  	[tilespmem:s31], [sflag:$0x1] =	stream.indirect_vreg.gather [hbm4b:s6+s3], $0x80, v3, vm0, $0xb8;
	[tilespmem:$0x10080] =	vst v63  }
0x2f: {  	v3 =	vld [tilespmem:$0x10];
	_ =	sdelay $0x4  }
0x30: {  	v57 =	vshll.u32 v3, $0x3  }
0x31: {  	v3 =	vand.u32 $0x7, v3;
	v4 =	vand.u32 $0xFFFFFFC0, v57  }
0x32: {  	v3 =	vor.u32 v3, v4  }
0x33: {  	v4 =	vperm.xlane v3, v0;
	_ =	sdelay $0x1  }
0x34: {  	v4 =	vadd.s32 v1, v4;
	_ =	sdelay $0x3  }
0x35: {  	s0 =	simm.s32 $0x4080  }
0x36: {  	[tilespmem:s0], [sflag:$0x1] =	stream.indirect_vreg.gather [hbm4b:s2+s3], $0x80, v4, vm0, $0xb8;
	[tilespmem:$0x10080] =	vst v63  }
0x37: {  	v3 =	vperm.xlane v3, v2  }
0x38: {  	[tilespmem:s1], [sflag:$0x1] =	stream.indirect_vreg.gather [hbm4b:s4+s3], $0x80, v4, vm0, $0xb8;
	[tilespmem:$0x10080] =	vst v63  }
0x39: {  	v3 =	vadd.s32 v1, v3  }
0x3a: {  	[tilespmem:s10], [sflag:$0x1] =	stream.indirect_vreg.gather [hbm4b:s5+s3], $0x80, v4, vm0, $0xb8;
	[tilespmem:$0x10080] =	vst v63  }
0x3b: {  	_ = 	snop  }
0x3c: {  	[tilespmem:s11], [sflag:$0x1] =	stream.indirect_vreg.gather [hbm4b:s6+s3], $0x80, v4, vm0, $0xb8;
	[tilespmem:$0x10080] =	vst v63  }
0x3d: {  	_ = 	snop  }
0x3e: {  	[tilespmem:s12], [sflag:$0x1] =	stream.indirect_vreg.gather [hbm4b:s2+s3], $0x80, v3, vm0, $0xb8;
	[tilespmem:$0x10080] =	vst v63  }
0x3f: {  	_ = 	snop  }
0x40: {  	[tilespmem:s13], [sflag:$0x1] =	stream.indirect_vreg.gather [hbm4b:s4+s3], $0x80, v3, vm0, $0xb8;
	[tilespmem:$0x10080] =	vst v63  }
0x41: {  	_ = 	snop  }
0x42: {  	[tilespmem:s14], [sflag:$0x1] =	stream.indirect_vreg.gather [hbm4b:s5+s3], $0x80, v3, vm0, $0xb8;
	[tilespmem:$0x10080] =	vst v63  }
0x43: {  	_ = 	snop  }
0x44: {  	[tilespmem:s15], [sflag:$0x1] =	stream.indirect_vreg.gather [hbm4b:s6+s3], $0x80, v3, vm0, $0xb8;
	[tilespmem:$0x10080] =	vst v63  }
0x45: {  	v3 =	vld [tilespmem:$0x20];
	_ =	sdelay $0x4  }
0x46: {  	v58 =	vshll.u32 v3, $0x3  }
0x47: {  	v3 =	vand.u32 $0x7, v3;
	v4 =	vand.u32 $0xFFFFFFC0, v58  }
0x48: {  	v3 =	vor.u32 v3, v4  }
0x49: {  	v4 =	vperm.xlane v3, v0;
	_ =	sdelay $0x1  }
0x4a: {  	v4 =	vadd.s32 v1, v4;
	_ =	sdelay $0x4  }
0x4b: {  	[tilespmem:s8], [sflag:$0x2] =	stream.indirect_vreg.gather [hbm4b:s2+s3], $0x80, v4, vm0, $0xb8;
	[tilespmem:$0x10080] =	vst v63  }
0x4c: {  	v3 =	vperm.xlane v3, v2  }
0x4d: {  	[tilespmem:s16], [sflag:$0x2] =	stream.indirect_vreg.gather [hbm4b:s4+s3], $0x80, v4, vm0, $0xb8;
	[tilespmem:$0x10080] =	vst v63  }
0x4e: {  	v3 =	vadd.s32 v1, v3  }
0x4f: {  	[tilespmem:s17], [sflag:$0x2] =	stream.indirect_vreg.gather [hbm4b:s5+s3], $0x80, v4, vm0, $0xb8;
	[tilespmem:$0x10080] =	vst v63  }
0x50: {  	_ = 	snop  }
0x51: {  	[tilespmem:s21], [sflag:$0x2] =	stream.indirect_vreg.gather [hbm4b:s6+s3], $0x80, v4, vm0, $0xb8;
	[tilespmem:$0x10080] =	vst v63  }
0x52: {  	s22 =	simm.s32 $0xA080  }
0x53: {  	[tilespmem:s22], [sflag:$0x2] =	stream.indirect_vreg.gather [hbm4b:s2+s3], $0x80, v3, vm0, $0xb8;
	[tilespmem:$0x10080] =	vst v63  }
0x54: {  	s22 =	simm.s32 $0xA880  }
0x55: {  	[tilespmem:s22], [sflag:$0x2] =	stream.indirect_vreg.gather [hbm4b:s4+s3], $0x80, v3, vm0, $0xb8;
	[tilespmem:$0x10080] =	vst v63  }
0x56: {  	s22 =	simm.s32 $0xB080  }
0x57: {  	[tilespmem:s22], [sflag:$0x2] =	stream.indirect_vreg.gather [hbm4b:s5+s3], $0x80, v3, vm0, $0xb8;
	[tilespmem:$0x10080] =	vst v63  }
0x58: {  	s22 =	simm.s32 $0xB880  }
0x59: {  	[tilespmem:s22], [sflag:$0x2] =	stream.indirect_vreg.gather [hbm4b:s6+s3], $0x80, v3, vm0, $0xb8;
	[tilespmem:$0x10080] =	vst v63  }
0x5a: {  	v3 =	vld [tilespmem:$0x30];
	_ =	sdelay $0x4  }
0x5b: {  	v59 =	vshll.u32 v3, $0x3  }
0x5c: {  	v3 =	vand.u32 $0x7, v3;
	v4 =	vand.u32 $0xFFFFFFC0, v59  }
0x5d: {  	v3 =	vor.u32 v3, v4  }
0x5e: {  	v4 =	vperm.xlane v3, v0;
	_ =	sdelay $0x1  }
0x5f: {  	v4 =	vadd.s32 v1, v4;
	_ =	sdelay $0x3  }
0x60: {  	s22 =	simm.s32 $0xC080  }
0x61: {  	[tilespmem:s22], [sflag:$0x2] =	stream.indirect_vreg.gather [hbm4b:s2+s3], $0x80, v4, vm0, $0xb8;
	[tilespmem:$0x10080] =	vst v63  }
0x62: {  	v3 =	vperm.xlane v3, v2;
	s22 =	simm.s32 $0xC880  }
0x63: {  	[tilespmem:s22], [sflag:$0x2] =	stream.indirect_vreg.gather [hbm4b:s4+s3], $0x80, v4, vm0, $0xb8;
	[tilespmem:$0x10080] =	vst v63  }
0x64: {  	v3 =	vadd.s32 v1, v3;
	s22 =	simm.s32 $0xD080  }
0x65: {  	[tilespmem:s22], [sflag:$0x2] =	stream.indirect_vreg.gather [hbm4b:s5+s3], $0x80, v4, vm0, $0xb8;
	[tilespmem:$0x10080] =	vst v63  }
0x66: {  	s22 =	simm.s32 $0xD880  }
0x67: {  	[tilespmem:s22], [sflag:$0x2] =	stream.indirect_vreg.gather [hbm4b:s6+s3], $0x80, v4, vm0, $0xb8;
	[tilespmem:$0x10080] =	vst v63  }
0x68: {  	s22 =	simm.s32 $0xE080  }
0x69: {  	[tilespmem:s22], [sflag:$0x2] =	stream.indirect_vreg.gather [hbm4b:s2+s3], $0x80, v3, vm0, $0xb8;
	[tilespmem:$0x10080] =	vst v63  }
0x6a: {  	s22 =	simm.s32 $0xE880  }
0x6b: {  	[tilespmem:s22], [sflag:$0x2] =	stream.indirect_vreg.gather [hbm4b:s4+s3], $0x80, v3, vm0, $0xb8;
	[tilespmem:$0x10080] =	vst v63  }
0x6c: {  	s22 =	simm.s32 $0xF080  }
0x6d: {  	[tilespmem:s22], [sflag:$0x2] =	stream.indirect_vreg.gather [hbm4b:s5+s3], $0x80, v3, vm0, $0xb8;
	[tilespmem:$0x10080] =	vst v63  }
0x6e: {  	s22 =	simm.s32 $0xF880  }
0x6f: {  	[tilespmem:s22], [sflag:$0x2] =	stream.indirect_vreg.gather [hbm4b:s6+s3], $0x80, v3, vm0, $0xb8;
	[tilespmem:$0x10080] =	vst v63  }
0x70: {  	_ =	swait.ge [sflag:s9], $0x8000  }
0x71: {  	[sflag:s9] =	ssyncset.done $0x0  }
0x72: {  	s22 =	rddreg [dreg:$0x4];
	[sflag:s9] =	ssyncadd.s32 $0xFFFF8000  }
0x73: {  	[hbm4b:s22+s3] =	stream.linear.scatter [tilespmem:s25], [sflag:$0x3], $0x8000, $0x38;
	[tilespmem:$0x10080] =	vst v63  }
0x74: {  	_ =	swait.ge [sflag:s19], $0x8000  }
0x75: {  	[sflag:s19] =	ssyncset.done $0x0  }
0x76: {  	[sflag:s19] =	ssyncadd.s32 $0xFFFF8000  }
0x77: {  	v3 =	vld [tilespmem:$0x40];
	_ =	sdelay $0x4  }
0x78: {  	v60 =	vshll.u32 v3, $0x3  }
0x79: {  	v3 =	vand.u32 $0x7, v3;
	v4 =	vand.u32 $0xFFFFFFC0, v60  }
0x7a: {  	v3 =	vor.u32 v3, v4  }
0x7b: {  	v4 =	vperm.xlane v3, v0;
	_ =	sdelay $0x1  }
0x7c: {  	v4 =	vadd.s32 v1, v4;
	_ =	sdelay $0x4  }
0x7d: {  	[tilespmem:s25], [sflag:$0x1] =	stream.indirect_vreg.gather [hbm4b:s2+s3], $0x80, v4, vm0, $0xb8;
	[tilespmem:$0x10080] =	vst v63  }
0x7e: {  	v3 =	vperm.xlane v3, v2  }
0x7f: {  	[tilespmem:s23], [sflag:$0x1] =	stream.indirect_vreg.gather [hbm4b:s4+s3], $0x80, v4, vm0, $0xb8;
	[tilespmem:$0x10080] =	vst v63  }
0x80: {  	v3 =	vadd.s32 v1, v3  }
0x81: {  	[tilespmem:s24], [sflag:$0x1] =	stream.indirect_vreg.gather [hbm4b:s5+s3], $0x80, v4, vm0, $0xb8;
	[tilespmem:$0x10080] =	vst v63  }
0x82: {  	_ = 	snop  }
0x83: {  	[tilespmem:s26], [sflag:$0x1] =	stream.indirect_vreg.gather [hbm4b:s6+s3], $0x80, v4, vm0, $0xb8;
	[tilespmem:$0x10080] =	vst v63  }
0x84: {  	_ = 	snop  }
0x85: {  	[tilespmem:s28], [sflag:$0x1] =	stream.indirect_vreg.gather [hbm4b:s2+s3], $0x80, v3, vm0, $0xb8;
	[tilespmem:$0x10080] =	vst v63  }
0x86: {  	_ = 	snop  }
0x87: {  	[tilespmem:s29], [sflag:$0x1] =	stream.indirect_vreg.gather [hbm4b:s4+s3], $0x80, v3, vm0, $0xb8;
	[tilespmem:$0x10080] =	vst v63  }
0x88: {  	_ = 	snop  }
0x89: {  	[tilespmem:s30], [sflag:$0x1] =	stream.indirect_vreg.gather [hbm4b:s5+s3], $0x80, v3, vm0, $0xb8;
	[tilespmem:$0x10080] =	vst v63  }
0x8a: {  	_ = 	snop  }
0x8b: {  	[tilespmem:s31], [sflag:$0x1] =	stream.indirect_vreg.gather [hbm4b:s6+s3], $0x80, v3, vm0, $0xb8;
	[tilespmem:$0x10080] =	vst v63  }
0x8c: {  	v3 =	vld [tilespmem:$0x50];
	_ =	sdelay $0x4  }
0x8d: {  	v61 =	vshll.u32 v3, $0x3  }
0x8e: {  	v3 =	vand.u32 $0x7, v3;
	v4 =	vand.u32 $0xFFFFFFC0, v61  }
0x8f: {  	v3 =	vor.u32 v3, v4  }
0x90: {  	v4 =	vperm.xlane v3, v0;
	_ =	sdelay $0x1  }
0x91: {  	v4 =	vadd.s32 v1, v4;
	_ =	sdelay $0x4  }
0x92: {  	[tilespmem:s0], [sflag:$0x1] =	stream.indirect_vreg.gather [hbm4b:s2+s3], $0x80, v4, vm0, $0xb8;
	[tilespmem:$0x10080] =	vst v63  }
0x93: {  	v3 =	vperm.xlane v3, v2  }
0x94: {  	[tilespmem:s1], [sflag:$0x1] =	stream.indirect_vreg.gather [hbm4b:s4+s3], $0x80, v4, vm0, $0xb8;
	[tilespmem:$0x10080] =	vst v63  }
0x95: {  	v3 =	vadd.s32 v1, v3  }
0x96: {  	[tilespmem:s10], [sflag:$0x1] =	stream.indirect_vreg.gather [hbm4b:s5+s3], $0x80, v4, vm0, $0xb8;
	[tilespmem:$0x10080] =	vst v63  }
0x97: {  	_ = 	snop  }
0x98: {  	[tilespmem:s11], [sflag:$0x1] =	stream.indirect_vreg.gather [hbm4b:s6+s3], $0x80, v4, vm0, $0xb8;
	[tilespmem:$0x10080] =	vst v63  }
0x99: {  	_ = 	snop  }
0x9a: {  	[tilespmem:s12], [sflag:$0x1] =	stream.indirect_vreg.gather [hbm4b:s2+s3], $0x80, v3, vm0, $0xb8;
	[tilespmem:$0x10080] =	vst v63  }
0x9b: {  	_ = 	snop  }
0x9c: {  	[tilespmem:s13], [sflag:$0x1] =	stream.indirect_vreg.gather [hbm4b:s4+s3], $0x80, v3, vm0, $0xb8;
	[tilespmem:$0x10080] =	vst v63  }
0x9d: {  	_ = 	snop  }
0x9e: {  	[tilespmem:s14], [sflag:$0x1] =	stream.indirect_vreg.gather [hbm4b:s5+s3], $0x80, v3, vm0, $0xb8;
	[tilespmem:$0x10080] =	vst v63  }
0x9f: {  	_ = 	snop  }
0xa0: {  	[tilespmem:s15], [sflag:$0x1] =	stream.indirect_vreg.gather [hbm4b:s6+s3], $0x80, v3, vm0, $0xb8;
	[tilespmem:$0x10080] =	vst v63  }
0xa1: {  	_ =	swait.ge [sflag:s20], $0x8000  }
0xa2: {  	[sflag:s20] =	ssyncset.done $0x0  }
0xa3: {  	s22 =	simm.s32 $0x4;
	s0 =	rddreg [dreg:$0x5];
	[sflag:s20] =	ssyncadd.s32 $0xFFFF8000  }
0xa4: {  	[hbm4b:s0+s3] =	stream.linear.scatter [tilespmem:s8], [sflag:$0x4], $0x8000, $0x38;
	[tilespmem:$0x10080] =	vst v63  }
0xa5: {  	_ =	swait.ge [sflag:s22], $0x8000  }
0xa6: {  	[sflag:s22] =	ssyncset.done $0x0  }
0xa7: {  	[sflag:s22] =	ssyncadd.s32 $0xFFFF8000  }
0xa8: {  	v3 =	vld [tilespmem:$0x60];
	_ =	sdelay $0x4  }
0xa9: {  	v62 =	vshll.u32 v3, $0x3  }
0xaa: {  	v3 =	vand.u32 $0x7, v3;
	v4 =	vand.u32 $0xFFFFFFC0, v62  }
0xab: {  	v3 =	vor.u32 v3, v4  }
0xac: {  	v4 =	vperm.xlane v3, v0;
	_ =	sdelay $0x1  }
0xad: {  	v4 =	vadd.s32 v1, v4;
	_ =	sdelay $0x4  }
0xae: {  	[tilespmem:s8], [sflag:$0x2] =	stream.indirect_vreg.gather [hbm4b:s2+s3], $0x80, v4, vm0, $0xb8;
	[tilespmem:$0x10080] =	vst v63  }
0xaf: {  	v3 =	vperm.xlane v3, v2  }
0xb0: {  	[tilespmem:s16], [sflag:$0x2] =	stream.indirect_vreg.gather [hbm4b:s4+s3], $0x80, v4, vm0, $0xb8;
	[tilespmem:$0x10080] =	vst v63  }
0xb1: {  	v3 =	vadd.s32 v1, v3  }
0xb2: {  	[tilespmem:s17], [sflag:$0x2] =	stream.indirect_vreg.gather [hbm4b:s5+s3], $0x80, v4, vm0, $0xb8;
	[tilespmem:$0x10080] =	vst v63  }
0xb3: {  	_ = 	snop  }
0xb4: {  	[tilespmem:s21], [sflag:$0x2] =	stream.indirect_vreg.gather [hbm4b:s6+s3], $0x80, v4, vm0, $0xb8;
	[tilespmem:$0x10080] =	vst v63  }
0xb5: {  	s22 =	simm.s32 $0xA080  }
0xb6: {  	[tilespmem:s22], [sflag:$0x2] =	stream.indirect_vreg.gather [hbm4b:s2+s3], $0x80, v3, vm0, $0xb8;
	[tilespmem:$0x10080] =	vst v63  }
0xb7: {  	s22 =	simm.s32 $0xA880  }
0xb8: {  	[tilespmem:s22], [sflag:$0x2] =	stream.indirect_vreg.gather [hbm4b:s4+s3], $0x80, v3, vm0, $0xb8;
	[tilespmem:$0x10080] =	vst v63  }
0xb9: {  	s22 =	simm.s32 $0xB080  }
0xba: {  	[tilespmem:s22], [sflag:$0x2] =	stream.indirect_vreg.gather [hbm4b:s5+s3], $0x80, v3, vm0, $0xb8;
	[tilespmem:$0x10080] =	vst v63  }
0xbb: {  	s22 =	simm.s32 $0xB880  }
0xbc: {  	[tilespmem:s22], [sflag:$0x2] =	stream.indirect_vreg.gather [hbm4b:s6+s3], $0x80, v3, vm0, $0xb8;
	[tilespmem:$0x10080] =	vst v63  }
0xbd: {  	v3 =	vld [tilespmem:$0x70];
	_ =	sdelay $0x4  }
0xbe: {  	v63 =	vshll.u32 v3, $0x3  }
0xbf: {  	v3 =	vand.u32 $0x7, v3;
	v4 =	vand.u32 $0xFFFFFFC0, v63  }
0xc0: {  	v3 =	vor.u32 v3, v4  }
0xc1: {  	v4 =	vperm.xlane v3, v0;
	_ =	sdelay $0x1  }
0xc2: {  	v4 =	vadd.s32 v1, v4;
	_ =	sdelay $0x3  }
0xc3: {  	s22 =	simm.s32 $0xC080  }
0xc4: {  	[tilespmem:s22], [sflag:$0x2] =	stream.indirect_vreg.gather [hbm4b:s2+s3], $0x80, v4, vm0, $0xb8;
	[tilespmem:$0x10080] =	vst v63  }
0xc5: {  	v3 =	vperm.xlane v3, v2;
	s22 =	simm.s32 $0xC880  }
0xc6: {  	[tilespmem:s22], [sflag:$0x2] =	stream.indirect_vreg.gather [hbm4b:s4+s3], $0x80, v4, vm0, $0xb8;
	[tilespmem:$0x10080] =	vst v63  }
0xc7: {  	v3 =	vadd.s32 v1, v3;
	s22 =	simm.s32 $0xD080  }
0xc8: {  	[tilespmem:s22], [sflag:$0x2] =	stream.indirect_vreg.gather [hbm4b:s5+s3], $0x80, v4, vm0, $0xb8;
	[tilespmem:$0x10080] =	vst v63  }
0xc9: {  	s22 =	simm.s32 $0xD880  }
0xca: {  	[tilespmem:s22], [sflag:$0x2] =	stream.indirect_vreg.gather [hbm4b:s6+s3], $0x80, v4, vm0, $0xb8;
	[tilespmem:$0x10080] =	vst v63  }
0xcb: {  	s22 =	simm.s32 $0xE080  }
0xcc: {  	[tilespmem:s22], [sflag:$0x2] =	stream.indirect_vreg.gather [hbm4b:s2+s3], $0x80, v3, vm0, $0xb8;
	[tilespmem:$0x10080] =	vst v63  }
0xcd: {  	s22 =	simm.s32 $0xE880  }
0xce: {  	[tilespmem:s22], [sflag:$0x2] =	stream.indirect_vreg.gather [hbm4b:s4+s3], $0x80, v3, vm0, $0xb8;
	[tilespmem:$0x10080] =	vst v63  }
0xcf: {  	s22 =	simm.s32 $0xF080  }
0xd0: {  	[tilespmem:s22], [sflag:$0x2] =	stream.indirect_vreg.gather [hbm4b:s5+s3], $0x80, v3, vm0, $0xb8;
	[tilespmem:$0x10080] =	vst v63  }
0xd1: {  	s22 =	simm.s32 $0xF880  }
0xd2: {  	[tilespmem:s22], [sflag:$0x2] =	stream.indirect_vreg.gather [hbm4b:s6+s3], $0x80, v3, vm0, $0xb8;
	[tilespmem:$0x10080] =	vst v63  }
0xd3: {  	_ =	swait.ge [sflag:s9], $0x8000  }
0xd4: {  	[sflag:s9] =	ssyncset.done $0x0  }
0xd5: {  	s0 =	rddreg [dreg:$0x6];
	[sflag:s9] =	ssyncadd.s32 $0xFFFF8000  }
0xd6: {  	[hbm4b:s0+s3] =	stream.linear.scatter [tilespmem:s25], [sflag:$0x3], $0x8000, $0x38;
	[tilespmem:$0x10080] =	vst v63  }
0xd7: {  	_ =	swait.ge [sflag:s20], $0x8000  }
0xd8: {  	[sflag:s20] =	ssyncset.done $0x0  }
0xd9: {  	s0 =	rddreg [dreg:$0x7];
	[sflag:s20] =	ssyncadd.s32 $0xFFFF8000  }
0xda: {  	[hbm4b:s0+s3] =	stream.linear.scatter [tilespmem:s8], [sflag:$0x5], $0x8000, $0x38;
	[tilespmem:$0x10080] =	vst v63  }
0xdb: {  	p0 =	sne.s32 s7, $0x1;
	_ =	swait.ge [sflag:s18], $0x8000  }
.Ltmp0:
0xdc: {  	[sflag:s18] =	ssyncset.done $0x0;
	(pc) =	sbr.rel @p0 .LBB2_1-.Ltmp0, $4  }
0xdd: {  	[sflag:s18] =	ssyncadd.s32 $0xFFFF8000  }
0xde: {  	_ =	swait.ge [sflag:s19], $0x8000  }
0xdf: {  	[sflag:s19] =	ssyncset.done $0x0  }
0xe0: {  	s7 =	sadd.s32 $0xFFFFFFFF, s7;
	[sflag:s19] =	ssyncadd.s32 $0xFFFF8000  }
0xe1: {  	_ =	sfence.sel $0x180000  }
0xe2: {  	[bflag:$0x0] =	sbarrier.arrive $0xFFFF  }
0xe3: {  	_ =	strace $0x9000004A  }
0xe4: {  	s0 =	stileid.u32;
	[bflag:$0x2] =	sbarrier.arrive $0xFFFF  }
0xe5: {  	p0 =	sne.s32 s0, $0x0;
	s0 =	rddreg [dreg:$0x2]  }
0xe6: {  	s0 =	sadd.s32 @!p0 $0x100000, s0  }
0xe7: {  	[sflag:s0] =	ssyncadd.tile.s32 @!p0 $0x1;
	_ =	shalt  }
.Lfunc_end2:
_tile_overlayer_lowered:
.L_overlay_start_2:
0xe8: {  	(tag) =	ssettag $0x2  }
0xe9: {  	s0 =	rddreg [dreg:$0x0];
	s2 =	stileid.u32  }
0xea: {  	s1 =	rddreg [dreg:$0x1];
	p0 =	sne.s32 s2, $0x0  }
0xeb: {  	s3 =	rddreg [dreg:$0x2];
	[bflag:$0x3] =	sbarrier.arrive $0xFFFF;
	s2 =	simm.s32 @!p0 $0x1C05  }
0xec: {  	[timem:s3], [sflag:s2] =	dma.local @!p0 [hbm:s0], s1  }
0xed: {  	s0 =	simm.s32 @!p0 $0x5  }
0xee: {  	_ =	swait.ge @!p0 [sflag:s0], s1  }
0xef: {  	s1 =	ssub.s32 @!p0 $0x0, s1;
	[sflag:s0] =	ssyncset.done @!p0 $0x0  }
0xf0: {  	[sflag:s0] =	ssyncadd.s32 @!p0 s1  }
0xf1: {  	[bflag:$0x3] =	sbarrier.arrive $0xFFFF  }
0xf2: {  	_ =	shalt  }

</sc_bundles>
